<compile_context>
chip_gen: v7x
topology: tpu7x:2x2x1
jax: 0.10.2.dev20260603
libtpu: 0.0.44.dev20260713+nightly
codegen_flags: <defaults>
</compile_context>

<pallas_src>
import functools

import jax
import jax.numpy as jnp
from jax import lax
from jax.experimental import pallas as pl
from jax.experimental.pallas import tpu as pltpu
from jax.experimental.pallas import tpu_sc as plsc

N_NODES = 10000
N_EDGES = 320000
D = 128

NC = 2
NS = 16
NW = NC * NS
K = 128
CH_STG = 40
NCH = 80
TOT_CH = NW * NCH
NCHD = NCH
E_PAD = TOT_CH * K
ROWS_PER_TILE = 632
N_ACC = NS * ROWS_PER_TILE

M_BLK = 1000
GRID_M = N_NODES // M_BLK

_sc_mesh = plsc.VectorSubcoreMesh(core_axis_name="c", subcore_axis_name="s")


@functools.partial(
    pl.kernel,
    out_type=jax.ShapeDtypeStruct((NC, N_ACC, 16), jnp.float32),
    mesh=_sc_mesh,
    compiler_params=pltpu.CompilerParams(use_tc_tiling_on_sc=False),
    scratch_types=[
        pltpu.VMEM((NCHD, K), jnp.int32),
        pltpu.VMEM((K, 16), jnp.float32),
        pltpu.VMEM_SHARED((N_ACC, 16), jnp.float32),
    ],
)
def _deg_kernel(colp_hbm, ones_hbm, zeros_hbm, deg_out, col_vm, ones_vm,
                deg_sp):
    c = lax.axis_index("c")
    s = lax.axis_index("s")
    wid = c * NS + s
    pltpu.sync_copy(colp_hbm.at[pl.ds(wid * NCHD, NCHD)], col_vm)
    pltpu.sync_copy(ones_hbm, ones_vm)
    pltpu.sync_copy(zeros_hbm, deg_sp.at[pl.ds(s * ROWS_PER_TILE, ROWS_PER_TILE)])
    plsc.subcore_barrier()

    def body(j, carry):
        pltpu.sync_copy(ones_vm, deg_sp.at[col_vm.at[j]], add=True)
        return carry

    lax.fori_loop(0, NCHD, body, 0)
    plsc.subcore_barrier()
    pltpu.sync_copy(
        deg_sp.at[pl.ds(s * ROWS_PER_TILE, ROWS_PER_TILE)],
        deg_out.at[c, pl.ds(s * ROWS_PER_TILE, ROWS_PER_TILE)],
    )


@functools.partial(
    pl.kernel,
    out_type=jax.ShapeDtypeStruct((NC, N_ACC, D), jnp.float32),
    mesh=_sc_mesh,
    scratch_types=[
        pltpu.VMEM((CH_STG, K), jnp.int32),
        pltpu.VMEM((CH_STG, K), jnp.int32),
        pltpu.VMEM((K, D), jnp.float32),
        pltpu.VMEM((K, D), jnp.float32),
        pltpu.VMEM_SHARED((N_ACC, D), jnp.float32),
        pltpu.SemaphoreType.DMA,
        pltpu.SemaphoreType.DMA,
    ],
)
def _agg_kernel(y_hbm, rowp_hbm, colp_hbm, zeros_hbm, s_out, row_vm, col_vm,
                buf0, buf1, s_sp, sem0, sem1):
    c = lax.axis_index("c")
    s = lax.axis_index("s")
    wid = c * NS + s
    pltpu.sync_copy(zeros_hbm, s_sp.at[pl.ds(s * ROWS_PER_TILE, ROWS_PER_TILE)])
    plsc.subcore_barrier()

    def run_stage(chunk_off):
        pltpu.sync_copy(rowp_hbm.at[pl.ds(chunk_off, CH_STG)], row_vm)
        pltpu.sync_copy(colp_hbm.at[pl.ds(chunk_off, CH_STG)], col_vm)

        pltpu.async_copy(y_hbm.at[row_vm.at[0]], buf0, sem0)

        def body(t, carry):
            j0 = 2 * t
            j1 = 2 * t + 1
            pltpu.async_copy(y_hbm.at[row_vm.at[j1]], buf1, sem1)
            pltpu.make_async_copy(y_hbm.at[row_vm.at[j0]], buf0, sem0).wait()
            pltpu.sync_copy(buf0, s_sp.at[col_vm.at[j0]], add=True)

            @pl.when(j1 + 1 < CH_STG)
            def _():
                pltpu.async_copy(y_hbm.at[row_vm.at[j1 + 1]], buf0, sem0)

            pltpu.make_async_copy(y_hbm.at[row_vm.at[j1]], buf1, sem1).wait()
            pltpu.sync_copy(buf1, s_sp.at[col_vm.at[j1]], add=True)
            return carry

        lax.fori_loop(0, CH_STG // 2, body, 0)

    for h in range(NCH // CH_STG):
        run_stage(wid * NCH + h * CH_STG)

    plsc.subcore_barrier()
    pltpu.sync_copy(
        s_sp.at[pl.ds(s * ROWS_PER_TILE, ROWS_PER_TILE)],
        s_out.at[c, pl.ds(s * ROWS_PER_TILE, ROWS_PER_TILE)],
    )


def _mm_body(cs_ref, w_ref, x_ref):
    x_ref[...] = jnp.dot(cs_ref[...], w_ref[...],
                         preferred_element_type=jnp.float32)


def _mm(cur_state, w):
    return pl.pallas_call(
        _mm_body,
        grid=(GRID_M,),
        in_specs=[
            pl.BlockSpec((M_BLK, D), lambda i: (i, 0)),
            pl.BlockSpec((D, D), lambda i: (0, 0)),
        ],
        out_specs=pl.BlockSpec((M_BLK, D), lambda i: (i, 0)),
        out_shape=jax.ShapeDtypeStruct((N_NODES, D), jnp.float32),
    )(cur_state, w)


def _scale_body(x_ref, degp_ref, y_ref):
    deg = degp_ref[0, :, 0:1] + degp_ref[1, :, 0:1] + 2.0
    dinv = lax.rsqrt(deg)
    y_ref[...] = x_ref[...] * dinv


def _scale(x, degp):
    return pl.pallas_call(
        _scale_body,
        grid=(GRID_M,),
        in_specs=[
            pl.BlockSpec((M_BLK, D), lambda i: (i, 0)),
            pl.BlockSpec((NC, M_BLK, 16), lambda i: (0, i, 0)),
        ],
        out_specs=pl.BlockSpec((M_BLK, D), lambda i: (i, 0)),
        out_shape=jax.ShapeDtypeStruct((N_NODES, D), jnp.float32),
    )(x, degp)


def _combine_body(sp_ref, y_ref, degp_ref, b_ref, out_ref):
    deg = degp_ref[0, :, 0:1] + degp_ref[1, :, 0:1] + 2.0
    dinv = lax.rsqrt(deg)
    acc = sp_ref[0] + sp_ref[1] + 2.0 * y_ref[...]
    out_ref[...] = acc * dinv + b_ref[...]


def _combine(s_acc, y, degp, b2d):
    return pl.pallas_call(
        _combine_body,
        grid=(GRID_M,),
        in_specs=[
            pl.BlockSpec((NC, M_BLK, D), lambda i: (0, i, 0)),
            pl.BlockSpec((M_BLK, D), lambda i: (i, 0)),
            pl.BlockSpec((NC, M_BLK, 16), lambda i: (0, i, 0)),
            pl.BlockSpec((1, D), lambda i: (0, 0)),
        ],
        out_specs=pl.BlockSpec((M_BLK, D), lambda i: (i, 0)),
        out_shape=jax.ShapeDtypeStruct((N_NODES, D), jnp.float32),
    )(s_acc, y, degp, b2d)


def kernel(cur_state, edge_index, W, b):
    row = edge_index[0].astype(jnp.int32)
    col = edge_index[1].astype(jnp.int32)
    pad = E_PAD - N_EDGES
    pad_iota = jnp.arange(pad, dtype=jnp.int32)
    rowp = jnp.concatenate([row, pad_iota % N_NODES])
    colp = jnp.concatenate([col, N_NODES + pad_iota % (N_ACC - N_NODES)])
    rowp = rowp.reshape(TOT_CH, K)
    colp = colp.reshape(TOT_CH, K)

    ones16 = jnp.ones((K, 16), jnp.float32)
    zeros16 = jnp.zeros((ROWS_PER_TILE, 16), jnp.float32)
    zerosd = jnp.zeros((ROWS_PER_TILE, D), jnp.float32)

    degp = _deg_kernel(colp, ones16, zeros16)
    x = _mm(cur_state, W)
    y = _scale(x, degp)
    s_acc = _agg_kernel(y, rowp, colp, zerosd)
    out = _combine(s_acc, y, degp, b.reshape(1, D))
    return out

# --- scband reference (transcript-rebuilt; emitter-appended) ---
"""Pipeline reference for scband-gcncell-50276887167261 (READ-ONLY COPY).

The authoritative reference and input builder live on the scoring server;
editing this copy changes nothing except your own understanding.
"""

import jax, jax.numpy as jnp
import numpy as np

N_NODES = 10000
N_EDGES = 320000
D_IN = 128
D_OUT = 128

def setup_inputs(seed: int = 0) -> dict:
    key = jax.random.key(seed)
    k1, k2, k3, k4 = jax.random.split(key, 4)
    cur_state = jax.random.normal(k1, (N_NODES, D_IN), dtype=jnp.float32)
    edge_index = jax.random.randint(k2, (2, N_EDGES), 0, N_NODES, dtype=jnp.int64)
    # GCNConv linear weight (PyG stores [out, in]; we use [in, out] and matmul directly)
    W = jax.random.normal(k3, (D_IN, D_OUT), dtype=jnp.float32) * (1.0 / np.sqrt(D_IN))
    b = jnp.zeros((D_OUT,), dtype=jnp.float32)
    return {"cur_state": cur_state, "edge_index": edge_index, "W": W, "b": b}

def reference(cur_state, edge_index, W, b):
    N = cur_state.shape[0]
    # Linear transform (GCNConv lin has no bias; bias added after aggregation)
    x = cur_state @ W
    row = edge_index[0]
    col = edge_index[1]
    # gcn_norm with improved=True: add self loops with weight 2.0
    ew = jnp.ones((row.shape[0],), dtype=jnp.float32)
    loop = jnp.arange(N, dtype=edge_index.dtype)
    row_f = jnp.concatenate([row, loop])
    col_f = jnp.concatenate([col, loop])
    ew_f = jnp.concatenate([ew, jnp.full((N,), 2.0, dtype=jnp.float32)])
    # degree computed at target (col) nodes
    deg = jnp.zeros((N,), dtype=jnp.float32).at[col_f].add(ew_f)
    deg_inv_sqrt = jnp.where(deg > 0, deg ** -0.5, 0.0)
    norm = deg_inv_sqrt[row_f] * ew_f * deg_inv_sqrt[col_f]
    # message = norm * x[src]; aggregate sum at dst
    msgs = x[row_f] * norm[:, None]
    out = jnp.zeros((N, x.shape[1]), dtype=jnp.float32).at[col_f].add(msgs)
    return out + b

if __name__ == "__main__":
    import jax
    _d = setup_inputs()
    print(jax.jit(kernel)(*tuple(_d.values())))

</pallas_src>

<mosaic_0001>
#map = affine_map<(d0, d1) -> (0, 0)>
#map1 = affine_map<(d0, d1) -> (0, 0, 0)>
module attributes {stable_mosaic.version = 14 : i64} {
  func.func @_deg_kernel(%arg0: i32, %arg1: i32, %arg2: memref<2560x128xi32, #tpu.memory_space<hbm>>, %arg3: memref<128x16xf32, #tpu.memory_space<hbm>>, %arg4: memref<632x16xf32, #tpu.memory_space<hbm>>, %arg5: memref<2x10112x16xf32, #tpu.memory_space<hbm>>, %arg6: memref<80x128xi32, #tpu.memory_space<vmem>>, %arg7: memref<128x16xf32, #tpu.memory_space<vmem>>, %arg8: memref<10112x16xf32, #tpu.memory_space<vmem_shared>>) attributes {dimension_semantics = [#tpu.dimension_semantics<core_parallel>, #tpu.dimension_semantics<subcore_parallel>], iteration_bounds = array<i64: 2, 16>, scalar_prefetch = 0 : i64, scratch_operands = 3 : i64, tpu.core_type = #tpu.core_type<sc_vector_subcore>, window_params = [{transform_indices = #map}, {transform_indices = #map}, {transform_indices = #map}, {transform_indices = #map1}]} {
    %mul3A = arith.constant 16 : i32
    %mul3A_0 = arith.muli %arg0, %mul3A : i32
    %add3A = arith.addi %mul3A_0, %arg1 : i32
    %mul3A_1 = arith.constant 80 : i32
    %mul3A_2 = arith.muli %add3A, %mul3A_1 : i32
    "tpu.region"() ({
      %run_scoped3A = tpu.sem_alloc : memref<!tpu.dma_semaphore, #tpu.memory_space<semaphore_mem>>
      %dma_start3A = arith.constant 0 : i32
      %dma_start3A_15 = tpu.memref_slice %arg2[%mul3A_2, %dma_start3A] : memref<2560x128xi32, #tpu.memory_space<hbm>> -> memref<80x128xi32, #tpu.memory_space<hbm>>
      %dma_start3A_16 = arith.constant 0 : i32
      %dma_start3A_17 = tpu.memref_slice %arg2[%mul3A_2, %dma_start3A_16] : memref<2560x128xi32, #tpu.memory_space<hbm>> -> memref<80x128xi32, #tpu.memory_space<hbm>>
      tpu.enqueue_dma source(%dma_start3A_17 : memref<80x128xi32, #tpu.memory_space<hbm>>) target(%arg6 : memref<80x128xi32, #tpu.memory_space<vmem>>) target_semaphore(%run_scoped3A : memref<!tpu.dma_semaphore, #tpu.memory_space<semaphore_mem>>)
      %dma_wait3A = arith.constant 0 : i32
      %dma_wait3A_18 = tpu.memref_slice %arg2[%mul3A_2, %dma_wait3A] : memref<2560x128xi32, #tpu.memory_space<hbm>> -> memref<80x128xi32, #tpu.memory_space<hbm>>
      %dma_wait3A_19 = arith.constant 0 : i32
      %dma_wait3A_20 = tpu.memref_slice %arg2[%mul3A_2, %dma_wait3A_19] : memref<2560x128xi32, #tpu.memory_space<hbm>> -> memref<80x128xi32, #tpu.memory_space<hbm>>
      tpu.wait_dma2 semaphore(%run_scoped3A : memref<!tpu.dma_semaphore, #tpu.memory_space<semaphore_mem>>) src(%dma_wait3A_20 : memref<80x128xi32, #tpu.memory_space<hbm>>) dst(%arg6 : memref<80x128xi32, #tpu.memory_space<vmem>>)
      tpu.yield
    }) : () -> ()
    "tpu.region"() ({
      %run_scoped3A = tpu.sem_alloc : memref<!tpu.dma_semaphore, #tpu.memory_space<semaphore_mem>>
      tpu.enqueue_dma source(%arg3 : memref<128x16xf32, #tpu.memory_space<hbm>>) target(%arg7 : memref<128x16xf32, #tpu.memory_space<vmem>>) target_semaphore(%run_scoped3A : memref<!tpu.dma_semaphore, #tpu.memory_space<semaphore_mem>>)
      tpu.wait_dma2 semaphore(%run_scoped3A : memref<!tpu.dma_semaphore, #tpu.memory_space<semaphore_mem>>) src(%arg3 : memref<128x16xf32, #tpu.memory_space<hbm>>) dst(%arg7 : memref<128x16xf32, #tpu.memory_space<vmem>>)
      tpu.yield
    }) : () -> ()
    %mul3A_3 = arith.constant 632 : i32
    %mul3A_4 = arith.muli %arg1, %mul3A_3 : i32
    "tpu.region"() ({
      %run_scoped3A = tpu.sem_alloc : memref<!tpu.dma_semaphore, #tpu.memory_space<semaphore_mem>>
      %dma_start3A = arith.constant 0 : i32
      %dma_start3A_15 = tpu.memref_slice %arg8[%mul3A_4, %dma_start3A] : memref<10112x16xf32, #tpu.memory_space<vmem_shared>> -> memref<632x16xf32, #tpu.memory_space<vmem_shared>>
      tpu.enqueue_dma source(%arg4 : memref<632x16xf32, #tpu.memory_space<hbm>>) target(%dma_start3A_15 : memref<632x16xf32, #tpu.memory_space<vmem_shared>>) target_semaphore(%run_scoped3A : memref<!tpu.dma_semaphore, #tpu.memory_space<semaphore_mem>>)
      %dma_wait3A = arith.constant 0 : i32
      %dma_wait3A_16 = tpu.memref_slice %arg8[%mul3A_4, %dma_wait3A] : memref<10112x16xf32, #tpu.memory_space<vmem_shared>> -> memref<632x16xf32, #tpu.memory_space<vmem_shared>>
      tpu.wait_dma2 semaphore(%run_scoped3A : memref<!tpu.dma_semaphore, #tpu.memory_space<semaphore_mem>>) src(%arg4 : memref<632x16xf32, #tpu.memory_space<hbm>>) dst(%dma_wait3A_16 : memref<632x16xf32, #tpu.memory_space<vmem_shared>>)
      tpu.yield
    }) : () -> ()
    %barrier3A = arith.constant 0 : index
    tpu.barrier barrier_id(%barrier3A)
    %scan3A = arith.constant 0 : i32
    %scan3A_5 = arith.constant 0 : i32
    %scan3A_6 = arith.constant 80 : i32
    %scan3A_7 = arith.addi %scan3A_5, %scan3A_6 : i32
    %scan3A_8 = arith.constant 1 : i32
    scf.for %scan3A_15 = %scan3A_5 to %scan3A_7 step %scan3A_8  : i32 {
      "tpu.region"() ({
        %run_scoped3A = tpu.sem_alloc : memref<!tpu.dma_semaphore, #tpu.memory_space<semaphore_mem>>
        %dma_start3A = arith.constant 0 : i32
        %dma_start3A_16 = tpu.memref_slice %arg6[%scan3A_15, %dma_start3A] : memref<80x128xi32, #tpu.memory_space<vmem>> -> memref<1x128xi32, #tpu.memory_space<vmem>>
        %dma_start3A_17 = tpu.memref_squeeze %dma_start3A_16 : memref<1x128xi32, #tpu.memory_space<vmem>> -> memref<128xi32, #tpu.memory_space<vmem>>
        %dma_start3A_18 = arith.constant 0 : i32
        %dma_start3A_19 = arith.constant 0 : i32
        %dma_start3A_20 = tpu.memref_slice %arg8[%dma_start3A_18, %dma_start3A_19] : memref<10112x16xf32, #tpu.memory_space<vmem_shared>> -> memref<10112x16xf32, #tpu.memory_space<vmem_shared>>
        tpu.enqueue_indirect_dma source(%arg7 : memref<128x16xf32, #tpu.memory_space<vmem>>) target(%dma_start3A_20 : memref<10112x16xf32, #tpu.memory_space<vmem_shared>>) offsets(%dma_start3A_17 : memref<128xi32, #tpu.memory_space<vmem>>) semaphore(%run_scoped3A : memref<!tpu.dma_semaphore, #tpu.memory_space<semaphore_mem>>) {add = true}
        %dma_wait3A = arith.constant 0 : i32
        %dma_wait3A_21 = tpu.memref_slice %arg6[%scan3A_15, %dma_wait3A] : memref<80x128xi32, #tpu.memory_space<vmem>> -> memref<1x128xi32, #tpu.memory_space<vmem>>
        %dma_wait3A_22 = tpu.memref_squeeze %dma_wait3A_21 : memref<1x128xi32, #tpu.memory_space<vmem>> -> memref<128xi32, #tpu.memory_space<vmem>>
        %dma_wait3A_23 = arith.constant 0 : i32
        %dma_wait3A_24 = arith.constant 0 : i32
        %dma_wait3A_25 = tpu.memref_slice %arg8[%dma_wait3A_23, %dma_wait3A_24] : memref<10112x16xf32, #tpu.memory_space<vmem_shared>> -> memref<10112x16xf32, #tpu.memory_space<vmem_shared>>
        tpu.wait_indirect_dma semaphore(%run_scoped3A : memref<!tpu.dma_semaphore, #tpu.memory_space<semaphore_mem>>) src(%arg7 : memref<128x16xf32, #tpu.memory_space<vmem>>) dst(%dma_wait3A_25 : memref<10112x16xf32, #tpu.memory_space<vmem_shared>>)
        tpu.yield
      }) : () -> ()
    }
    %scan3A_9 = arith.constant 80 : i32
    %barrier3A_10 = arith.constant 0 : index
    tpu.barrier barrier_id(%barrier3A_10)
    %mul3A_11 = arith.constant 632 : i32
    %mul3A_12 = arith.muli %arg1, %mul3A_11 : i32
    %mul3A_13 = arith.constant 632 : i32
    %mul3A_14 = arith.muli %arg1, %mul3A_13 : i32
    "tpu.region"() ({
      %run_scoped3A = tpu.sem_alloc : memref<!tpu.dma_semaphore, #tpu.memory_space<semaphore_mem>>
      %dma_start3A = arith.constant 0 : i32
      %dma_start3A_15 = tpu.memref_slice %arg5[%arg0, %mul3A_14, %dma_start3A] : memref<2x10112x16xf32, #tpu.memory_space<hbm>> -> memref<1x632x16xf32, #tpu.memory_space<hbm>>
      %dma_start3A_16 = tpu.memref_squeeze %dma_start3A_15 : memref<1x632x16xf32, #tpu.memory_space<hbm>> -> memref<632x16xf32, #tpu.memory_space<hbm>>
      %dma_start3A_17 = arith.constant 0 : i32
      %dma_start3A_18 = tpu.memref_slice %arg8[%mul3A_12, %dma_start3A_17] : memref<10112x16xf32, #tpu.memory_space<vmem_shared>> -> memref<632x16xf32, #tpu.memory_space<vmem_shared>>
      tpu.enqueue_dma source(%dma_start3A_18 : memref<632x16xf32, #tpu.memory_space<vmem_shared>>) target(%dma_start3A_16 : memref<632x16xf32, #tpu.memory_space<hbm>>) target_semaphore(%run_scoped3A : memref<!tpu.dma_semaphore, #tpu.memory_space<semaphore_mem>>)
      %dma_wait3A = arith.constant 0 : i32
      %dma_wait3A_19 = tpu.memref_slice %arg5[%arg0, %mul3A_14, %dma_wait3A] : memref<2x10112x16xf32, #tpu.memory_space<hbm>> -> memref<1x632x16xf32, #tpu.memory_space<hbm>>
      %dma_wait3A_20 = tpu.memref_squeeze %dma_wait3A_19 : memref<1x632x16xf32, #tpu.memory_space<hbm>> -> memref<632x16xf32, #tpu.memory_space<hbm>>
      %dma_wait3A_21 = arith.constant 0 : i32
      %dma_wait3A_22 = tpu.memref_slice %arg8[%mul3A_12, %dma_wait3A_21] : memref<10112x16xf32, #tpu.memory_space<vmem_shared>> -> memref<632x16xf32, #tpu.memory_space<vmem_shared>>
      tpu.wait_dma2 semaphore(%run_scoped3A : memref<!tpu.dma_semaphore, #tpu.memory_space<semaphore_mem>>) src(%dma_wait3A_22 : memref<632x16xf32, #tpu.memory_space<vmem_shared>>) dst(%dma_wait3A_20 : memref<632x16xf32, #tpu.memory_space<hbm>>)
      tpu.yield
    }) : () -> ()
    return
  }
}

#map = affine_map<(d0, d1) -> (0, 0)>
#map1 = affine_map<(d0, d1) -> (0, 0, 0)>
module attributes {stable_mosaic.version = 14 : i64} {
  func.func @_agg_kernel(%arg0: i32, %arg1: i32, %arg2: memref<10000x128xf32, #tpu.memory_space<hbm>>, %arg3: memref<2560x128xi32, #tpu.memory_space<hbm>>, %arg4: memref<2560x128xi32, #tpu.memory_space<hbm>>, %arg5: memref<632x128xf32, #tpu.memory_space<hbm>>, %arg6: memref<2x10112x128xf32, #tpu.memory_space<hbm>>, %arg7: memref<40x128xi32, #tpu.memory_space<vmem>>, %arg8: memref<40x128xi32, #tpu.memory_space<vmem>>, %arg9: memref<128x128xf32, #tpu.memory_space<vmem>>, %arg10: memref<128x128xf32, #tpu.memory_space<vmem>>, %arg11: memref<10112x128xf32, #tpu.memory_space<vmem_shared>>, %arg12: memref<!tpu.dma_semaphore, #tpu.memory_space<semaphore_mem>>, %arg13: memref<!tpu.dma_semaphore, #tpu.memory_space<semaphore_mem>>) attributes {dimension_semantics = [#tpu.dimension_semantics<core_parallel>, #tpu.dimension_semantics<subcore_parallel>], iteration_bounds = array<i64: 2, 16>, scalar_prefetch = 0 : i64, scratch_operands = 7 : i64, tpu.core_type = #tpu.core_type<sc_vector_subcore>, window_params = [{transform_indices = #map}, {transform_indices = #map}, {transform_indices = #map}, {transform_indices = #map}, {transform_indices = #map1}]} {
    %mul3A = arith.constant 16 : i32
    %mul3A_0 = arith.muli %arg0, %mul3A : i32
    %add3A = arith.addi %mul3A_0, %arg1 : i32
    %mul3A_1 = arith.constant 632 : i32
    %mul3A_2 = arith.muli %arg1, %mul3A_1 : i32
    "tpu.region"() ({
      %run_scoped3A = tpu.sem_alloc : memref<!tpu.dma_semaphore, #tpu.memory_space<semaphore_mem>>
      %dma_start3A_40 = arith.constant 0 : i32
      %dma_start3A_41 = tpu.memref_slice %arg11[%mul3A_2, %dma_start3A_40] : memref<10112x128xf32, #tpu.memory_space<vmem_shared>> -> memref<632x128xf32, #tpu.memory_space<vmem_shared>>
      tpu.enqueue_dma source(%arg5 : memref<632x128xf32, #tpu.memory_space<hbm>>) target(%dma_start3A_41 : memref<632x128xf32, #tpu.memory_space<vmem_shared>>) target_semaphore(%run_scoped3A : memref<!tpu.dma_semaphore, #tpu.memory_space<semaphore_mem>>)
      %dma_wait3A = arith.constant 0 : i32
      %dma_wait3A_42 = tpu.memref_slice %arg11[%mul3A_2, %dma_wait3A] : memref<10112x128xf32, #tpu.memory_space<vmem_shared>> -> memref<632x128xf32, #tpu.memory_space<vmem_shared>>
      tpu.wait_dma2 semaphore(%run_scoped3A : memref<!tpu.dma_semaphore, #tpu.memory_space<semaphore_mem>>) src(%arg5 : memref<632x128xf32, #tpu.memory_space<hbm>>) dst(%dma_wait3A_42 : memref<632x128xf32, #tpu.memory_space<vmem_shared>>)
      tpu.yield
    }) : () -> ()
    %barrier3A = arith.constant 0 : index
    tpu.barrier barrier_id(%barrier3A)
    %mul3A_3 = arith.constant 80 : i32
    %mul3A_4 = arith.muli %add3A, %mul3A_3 : i32
    %add3A_5 = arith.constant 0 : i32
    %add3A_6 = arith.addi %mul3A_4, %add3A_5 : i32
    "tpu.region"() ({
      %run_scoped3A = tpu.sem_alloc : memref<!tpu.dma_semaphore, #tpu.memory_space<semaphore_mem>>
      %dma_start3A_40 = arith.constant 0 : i32
      %dma_start3A_41 = tpu.memref_slice %arg3[%add3A_6, %dma_start3A_40] : memref<2560x128xi32, #tpu.memory_space<hbm>> -> memref<40x128xi32, #tpu.memory_space<hbm>>
      %dma_start3A_42 = arith.constant 0 : i32
      %dma_start3A_43 = tpu.memref_slice %arg3[%add3A_6, %dma_start3A_42] : memref<2560x128xi32, #tpu.memory_space<hbm>> -> memref<40x128xi32, #tpu.memory_space<hbm>>
      tpu.enqueue_dma source(%dma_start3A_43 : memref<40x128xi32, #tpu.memory_space<hbm>>) target(%arg7 : memref<40x128xi32, #tpu.memory_space<vmem>>) target_semaphore(%run_scoped3A : memref<!tpu.dma_semaphore, #tpu.memory_space<semaphore_mem>>)
      %dma_wait3A = arith.constant 0 : i32
      %dma_wait3A_44 = tpu.memref_slice %arg3[%add3A_6, %dma_wait3A] : memref<2560x128xi32, #tpu.memory_space<hbm>> -> memref<40x128xi32, #tpu.memory_space<hbm>>
      %dma_wait3A_45 = arith.constant 0 : i32
      %dma_wait3A_46 = tpu.memref_slice %arg3[%add3A_6, %dma_wait3A_45] : memref<2560x128xi32, #tpu.memory_space<hbm>> -> memref<40x128xi32, #tpu.memory_space<hbm>>
      tpu.wait_dma2 semaphore(%run_scoped3A : memref<!tpu.dma_semaphore, #tpu.memory_space<semaphore_mem>>) src(%dma_wait3A_46 : memref<40x128xi32, #tpu.memory_space<hbm>>) dst(%arg7 : memref<40x128xi32, #tpu.memory_space<vmem>>)
      tpu.yield
    }) : () -> ()
    "tpu.region"() ({
      %run_scoped3A = tpu.sem_alloc : memref<!tpu.dma_semaphore, #tpu.memory_space<semaphore_mem>>
      %dma_start3A_40 = arith.constant 0 : i32
      %dma_start3A_41 = tpu.memref_slice %arg4[%add3A_6, %dma_start3A_40] : memref<2560x128xi32, #tpu.memory_space<hbm>> -> memref<40x128xi32, #tpu.memory_space<hbm>>
      %dma_start3A_42 = arith.constant 0 : i32
      %dma_start3A_43 = tpu.memref_slice %arg4[%add3A_6, %dma_start3A_42] : memref<2560x128xi32, #tpu.memory_space<hbm>> -> memref<40x128xi32, #tpu.memory_space<hbm>>
      tpu.enqueue_dma source(%dma_start3A_43 : memref<40x128xi32, #tpu.memory_space<hbm>>) target(%arg8 : memref<40x128xi32, #tpu.memory_space<vmem>>) target_semaphore(%run_scoped3A : memref<!tpu.dma_semaphore, #tpu.memory_space<semaphore_mem>>)
      %dma_wait3A = arith.constant 0 : i32
      %dma_wait3A_44 = tpu.memref_slice %arg4[%add3A_6, %dma_wait3A] : memref<2560x128xi32, #tpu.memory_space<hbm>> -> memref<40x128xi32, #tpu.memory_space<hbm>>
      %dma_wait3A_45 = arith.constant 0 : i32
      %dma_wait3A_46 = tpu.memref_slice %arg4[%add3A_6, %dma_wait3A_45] : memref<2560x128xi32, #tpu.memory_space<hbm>> -> memref<40x128xi32, #tpu.memory_space<hbm>>
      tpu.wait_dma2 semaphore(%run_scoped3A : memref<!tpu.dma_semaphore, #tpu.memory_space<semaphore_mem>>) src(%dma_wait3A_46 : memref<40x128xi32, #tpu.memory_space<hbm>>) dst(%arg8 : memref<40x128xi32, #tpu.memory_space<vmem>>)
      tpu.yield
    }) : () -> ()
    %dma_start3A = arith.constant 0 : i32
    %dma_start3A_7 = arith.constant 0 : i32
    %dma_start3A_8 = tpu.memref_slice %arg7[%dma_start3A, %dma_start3A_7] : memref<40x128xi32, #tpu.memory_space<vmem>> -> memref<1x128xi32, #tpu.memory_space<vmem>>
    %dma_start3A_9 = tpu.memref_squeeze %dma_start3A_8 : memref<1x128xi32, #tpu.memory_space<vmem>> -> memref<128xi32, #tpu.memory_space<vmem>>
    %dma_start3A_10 = arith.constant 0 : i32
    %dma_start3A_11 = arith.constant 0 : i32
    %dma_start3A_12 = tpu.memref_slice %arg2[%dma_start3A_10, %dma_start3A_11] : memref<10000x128xf32, #tpu.memory_space<hbm>> -> memref<10000x128xf32, #tpu.memory_space<hbm>>
    tpu.enqueue_indirect_dma source(%dma_start3A_12 : memref<10000x128xf32, #tpu.memory_space<hbm>>) target(%arg9 : memref<128x128xf32, #tpu.memory_space<vmem>>) offsets(%dma_start3A_9 : memref<128xi32, #tpu.memory_space<vmem>>) semaphore(%arg12 : memref<!tpu.dma_semaphore, #tpu.memory_space<semaphore_mem>>)
    %scan3A = arith.constant 0 : i32
    %scan3A_13 = arith.constant 0 : i32
    %scan3A_14 = arith.constant 20 : i32
    %scan3A_15 = arith.addi %scan3A_13, %scan3A_14 : i32
    %scan3A_16 = arith.constant 1 : i32
    scf.for %scan3A_40 = %scan3A_13 to %scan3A_15 step %scan3A_16  : i32 {
      %mul3A_41 = arith.constant 2 : i32
      %mul3A_42 = arith.muli %mul3A_41, %scan3A_40 : i32
      %mul3A_43 = arith.constant 2 : i32
      %mul3A_44 = arith.muli %mul3A_43, %scan3A_40 : i32
      %add3A_45 = arith.constant 1 : i32
      %add3A_46 = arith.addi %mul3A_44, %add3A_45 : i32
      %dma_start3A_47 = arith.constant 0 : i32
      %dma_start3A_48 = tpu.memref_slice %arg7[%add3A_46, %dma_start3A_47] : memref<40x128xi32, #tpu.memory_space<vmem>> -> memref<1x128xi32, #tpu.memory_space<vmem>>
      %dma_start3A_49 = tpu.memref_squeeze %dma_start3A_48 : memref<1x128xi32, #tpu.memory_space<vmem>> -> memref<128xi32, #tpu.memory_space<vmem>>
      %dma_start3A_50 = arith.constant 0 : i32
      %dma_start3A_51 = arith.constant 0 : i32
      %dma_start3A_52 = tpu.memref_slice %arg2[%dma_start3A_50, %dma_start3A_51] : memref<10000x128xf32, #tpu.memory_space<hbm>> -> memref<10000x128xf32, #tpu.memory_space<hbm>>
      tpu.enqueue_indirect_dma source(%dma_start3A_52 : memref<10000x128xf32, #tpu.memory_space<hbm>>) target(%arg10 : memref<128x128xf32, #tpu.memory_space<vmem>>) offsets(%dma_start3A_49 : memref<128xi32, #tpu.memory_space<vmem>>) semaphore(%arg13 : memref<!tpu.dma_semaphore, #tpu.memory_space<semaphore_mem>>)
      %dma_wait3A = arith.constant 0 : i32
      %dma_wait3A_53 = tpu.memref_slice %arg7[%mul3A_42, %dma_wait3A] : memref<40x128xi32, #tpu.memory_space<vmem>> -> memref<1x128xi32, #tpu.memory_space<vmem>>
      %dma_wait3A_54 = tpu.memref_squeeze %dma_wait3A_53 : memref<1x128xi32, #tpu.memory_space<vmem>> -> memref<128xi32, #tpu.memory_space<vmem>>
      %dma_wait3A_55 = arith.constant 0 : i32
      %dma_wait3A_56 = arith.constant 0 : i32
      %dma_wait3A_57 = tpu.memref_slice %arg2[%dma_wait3A_55, %dma_wait3A_56] : memref<10000x128xf32, #tpu.memory_space<hbm>> -> memref<10000x128xf32, #tpu.memory_space<hbm>>
      tpu.wait_indirect_dma semaphore(%arg12 : memref<!tpu.dma_semaphore, #tpu.memory_space<semaphore_mem>>) src(%dma_wait3A_57 : memref<10000x128xf32, #tpu.memory_space<hbm>>) dst(%arg9 : memref<128x128xf32, #tpu.memory_space<vmem>>)
      "tpu.region"() ({
        %run_scoped3A = tpu.sem_alloc : memref<!tpu.dma_semaphore, #tpu.memory_space<semaphore_mem>>
        %dma_start3A_68 = arith.constant 0 : i32
        %dma_start3A_69 = tpu.memref_slice %arg8[%mul3A_42, %dma_start3A_68] : memref<40x128xi32, #tpu.memory_space<vmem>> -> memref<1x128xi32, #tpu.memory_space<vmem>>
        %dma_start3A_70 = tpu.memref_squeeze %dma_start3A_69 : memref<1x128xi32, #tpu.memory_space<vmem>> -> memref<128xi32, #tpu.memory_space<vmem>>
        %dma_start3A_71 = arith.constant 0 : i32
        %dma_start3A_72 = arith.constant 0 : i32
        %dma_start3A_73 = tpu.memref_slice %arg11[%dma_start3A_71, %dma_start3A_72] : memref<10112x128xf32, #tpu.memory_space<vmem_shared>> -> memref<10112x128xf32, #tpu.memory_space<vmem_shared>>
        tpu.enqueue_indirect_dma source(%arg9 : memref<128x128xf32, #tpu.memory_space<vmem>>) target(%dma_start3A_73 : memref<10112x128xf32, #tpu.memory_space<vmem_shared>>) offsets(%dma_start3A_70 : memref<128xi32, #tpu.memory_space<vmem>>) semaphore(%run_scoped3A : memref<!tpu.dma_semaphore, #tpu.memory_space<semaphore_mem>>) {add = true}
        %dma_wait3A_74 = arith.constant 0 : i32
        %dma_wait3A_75 = tpu.memref_slice %arg8[%mul3A_42, %dma_wait3A_74] : memref<40x128xi32, #tpu.memory_space<vmem>> -> memref<1x128xi32, #tpu.memory_space<vmem>>
        %dma_wait3A_76 = tpu.memref_squeeze %dma_wait3A_75 : memref<1x128xi32, #tpu.memory_space<vmem>> -> memref<128xi32, #tpu.memory_space<vmem>>
        %dma_wait3A_77 = arith.constant 0 : i32
        %dma_wait3A_78 = arith.constant 0 : i32
        %dma_wait3A_79 = tpu.memref_slice %arg11[%dma_wait3A_77, %dma_wait3A_78] : memref<10112x128xf32, #tpu.memory_space<vmem_shared>> -> memref<10112x128xf32, #tpu.memory_space<vmem_shared>>
        tpu.wait_indirect_dma semaphore(%run_scoped3A : memref<!tpu.dma_semaphore, #tpu.memory_space<semaphore_mem>>) src(%arg9 : memref<128x128xf32, #tpu.memory_space<vmem>>) dst(%dma_wait3A_79 : memref<10112x128xf32, #tpu.memory_space<vmem_shared>>)
        tpu.yield
      }) : () -> ()
      %add3A_58 = arith.constant 1 : i32
      %add3A_59 = arith.addi %add3A_46, %add3A_58 : i32
      %lt3A = arith.constant 40 : i32
      %lt3A_60 = arith.cmpi slt, %add3A_59, %lt3A : i32
      %convert_element_type3A = arith.extui %lt3A_60 : i1 to i32
      %cond3A = arith.constant 0 : i32
      %cond3A_61 = arith.cmpi ne, %convert_element_type3A, %cond3A : i32
      scf.if %cond3A_61 {
        %add3A_68 = arith.constant 1 : i32
        %add3A_69 = arith.addi %add3A_46, %add3A_68 : i32
        %dma_start3A_70 = arith.constant 0 : i32
        %dma_start3A_71 = tpu.memref_slice %arg7[%add3A_69, %dma_start3A_70] : memref<40x128xi32, #tpu.memory_space<vmem>> -> memref<1x128xi32, #tpu.memory_space<vmem>>
        %dma_start3A_72 = tpu.memref_squeeze %dma_start3A_71 : memref<1x128xi32, #tpu.memory_space<vmem>> -> memref<128xi32, #tpu.memory_space<vmem>>
        %dma_start3A_73 = arith.constant 0 : i32
        %dma_start3A_74 = arith.constant 0 : i32
        %dma_start3A_75 = tpu.memref_slice %arg2[%dma_start3A_73, %dma_start3A_74] : memref<10000x128xf32, #tpu.memory_space<hbm>> -> memref<10000x128xf32, #tpu.memory_space<hbm>>
        tpu.enqueue_indirect_dma source(%dma_start3A_75 : memref<10000x128xf32, #tpu.memory_space<hbm>>) target(%arg9 : memref<128x128xf32, #tpu.memory_space<vmem>>) offsets(%dma_start3A_72 : memref<128xi32, #tpu.memory_space<vmem>>) semaphore(%arg12 : memref<!tpu.dma_semaphore, #tpu.memory_space<semaphore_mem>>)
      } else {
      }
      %dma_wait3A_62 = arith.constant 0 : i32
      %dma_wait3A_63 = tpu.memref_slice %arg7[%add3A_46, %dma_wait3A_62] : memref<40x128xi32, #tpu.memory_space<vmem>> -> memref<1x128xi32, #tpu.memory_space<vmem>>
      %dma_wait3A_64 = tpu.memref_squeeze %dma_wait3A_63 : memref<1x128xi32, #tpu.memory_space<vmem>> -> memref<128xi32, #tpu.memory_space<vmem>>
      %dma_wait3A_65 = arith.constant 0 : i32
      %dma_wait3A_66 = arith.constant 0 : i32
      %dma_wait3A_67 = tpu.memref_slice %arg2[%dma_wait3A_65, %dma_wait3A_66] : memref<10000x128xf32, #tpu.memory_space<hbm>> -> memref<10000x128xf32, #tpu.memory_space<hbm>>
      tpu.wait_indirect_dma semaphore(%arg13 : memref<!tpu.dma_semaphore, #tpu.memory_space<semaphore_mem>>) src(%dma_wait3A_67 : memref<10000x128xf32, #tpu.memory_space<hbm>>) dst(%arg10 : memref<128x128xf32, #tpu.memory_space<vmem>>)
      "tpu.region"() ({
        %run_scoped3A = tpu.sem_alloc : memref<!tpu.dma_semaphore, #tpu.memory_space<semaphore_mem>>
        %dma_start3A_68 = arith.constant 0 : i32
        %dma_start3A_69 = tpu.memref_slice %arg8[%add3A_46, %dma_start3A_68] : memref<40x128xi32, #tpu.memory_space<vmem>> -> memref<1x128xi32, #tpu.memory_space<vmem>>
        %dma_start3A_70 = tpu.memref_squeeze %dma_start3A_69 : memref<1x128xi32, #tpu.memory_space<vmem>> -> memref<128xi32, #tpu.memory_space<vmem>>
        %dma_start3A_71 = arith.constant 0 : i32
        %dma_start3A_72 = arith.constant 0 : i32
        %dma_start3A_73 = tpu.memref_slice %arg11[%dma_start3A_71, %dma_start3A_72] : memref<10112x128xf32, #tpu.memory_space<vmem_shared>> -> memref<10112x128xf32, #tpu.memory_space<vmem_shared>>
        tpu.enqueue_indirect_dma source(%arg10 : memref<128x128xf32, #tpu.memory_space<vmem>>) target(%dma_start3A_73 : memref<10112x128xf32, #tpu.memory_space<vmem_shared>>) offsets(%dma_start3A_70 : memref<128xi32, #tpu.memory_space<vmem>>) semaphore(%run_scoped3A : memref<!tpu.dma_semaphore, #tpu.memory_space<semaphore_mem>>) {add = true}
        %dma_wait3A_74 = arith.constant 0 : i32
        %dma_wait3A_75 = tpu.memref_slice %arg8[%add3A_46, %dma_wait3A_74] : memref<40x128xi32, #tpu.memory_space<vmem>> -> memref<1x128xi32, #tpu.memory_space<vmem>>
        %dma_wait3A_76 = tpu.memref_squeeze %dma_wait3A_75 : memref<1x128xi32, #tpu.memory_space<vmem>> -> memref<128xi32, #tpu.memory_space<vmem>>
        %dma_wait3A_77 = arith.constant 0 : i32
        %dma_wait3A_78 = arith.constant 0 : i32
        %dma_wait3A_79 = tpu.memref_slice %arg11[%dma_wait3A_77, %dma_wait3A_78] : memref<10112x128xf32, #tpu.memory_space<vmem_shared>> -> memref<10112x128xf32, #tpu.memory_space<vmem_shared>>
        tpu.wait_indirect_dma semaphore(%run_scoped3A : memref<!tpu.dma_semaphore, #tpu.memory_space<semaphore_mem>>) src(%arg10 : memref<128x128xf32, #tpu.memory_space<vmem>>) dst(%dma_wait3A_79 : memref<10112x128xf32, #tpu.memory_space<vmem_shared>>)
        tpu.yield
      }) : () -> ()
    }
    %scan3A_17 = arith.constant 20 : i32
    %mul3A_18 = arith.constant 80 : i32
    %mul3A_19 = arith.muli %add3A, %mul3A_18 : i32
    %add3A_20 = arith.constant 40 : i32
    %add3A_21 = arith.addi %mul3A_19, %add3A_20 : i32
    "tpu.region"() ({
      %run_scoped3A = tpu.sem_alloc : memref<!tpu.dma_semaphore, #tpu.memory_space<semaphore_mem>>
      %dma_start3A_40 = arith.constant 0 : i32
      %dma_start3A_41 = tpu.memref_slice %arg3[%add3A_21, %dma_start3A_40] : memref<2560x128xi32, #tpu.memory_space<hbm>> -> memref<40x128xi32, #tpu.memory_space<hbm>>
      %dma_start3A_42 = arith.constant 0 : i32
      %dma_start3A_43 = tpu.memref_slice %arg3[%add3A_21, %dma_start3A_42] : memref<2560x128xi32, #tpu.memory_space<hbm>> -> memref<40x128xi32, #tpu.memory_space<hbm>>
      tpu.enqueue_dma source(%dma_start3A_43 : memref<40x128xi32, #tpu.memory_space<hbm>>) target(%arg7 : memref<40x128xi32, #tpu.memory_space<vmem>>) target_semaphore(%run_scoped3A : memref<!tpu.dma_semaphore, #tpu.memory_space<semaphore_mem>>)
      %dma_wait3A = arith.constant 0 : i32
      %dma_wait3A_44 = tpu.memref_slice %arg3[%add3A_21, %dma_wait3A] : memref<2560x128xi32, #tpu.memory_space<hbm>> -> memref<40x128xi32, #tpu.memory_space<hbm>>
      %dma_wait3A_45 = arith.constant 0 : i32
      %dma_wait3A_46 = tpu.memref_slice %arg3[%add3A_21, %dma_wait3A_45] : memref<2560x128xi32, #tpu.memory_space<hbm>> -> memref<40x128xi32, #tpu.memory_space<hbm>>
      tpu.wait_dma2 semaphore(%run_scoped3A : memref<!tpu.dma_semaphore, #tpu.memory_space<semaphore_mem>>) src(%dma_wait3A_46 : memref<40x128xi32, #tpu.memory_space<hbm>>) dst(%arg7 : memref<40x128xi32, #tpu.memory_space<vmem>>)
      tpu.yield
    }) : () -> ()
    "tpu.region"() ({
      %run_scoped3A = tpu.sem_alloc : memref<!tpu.dma_semaphore, #tpu.memory_space<semaphore_mem>>
      %dma_start3A_40 = arith.constant 0 : i32
      %dma_start3A_41 = tpu.memref_slice %arg4[%add3A_21, %dma_start3A_40] : memref<2560x128xi32, #tpu.memory_space<hbm>> -> memref<40x128xi32, #tpu.memory_space<hbm>>
      %dma_start3A_42 = arith.constant 0 : i32
      %dma_start3A_43 = tpu.memref_slice %arg4[%add3A_21, %dma_start3A_42] : memref<2560x128xi32, #tpu.memory_space<hbm>> -> memref<40x128xi32, #tpu.memory_space<hbm>>
      tpu.enqueue_dma source(%dma_start3A_43 : memref<40x128xi32, #tpu.memory_space<hbm>>) target(%arg8 : memref<40x128xi32, #tpu.memory_space<vmem>>) target_semaphore(%run_scoped3A : memref<!tpu.dma_semaphore, #tpu.memory_space<semaphore_mem>>)
      %dma_wait3A = arith.constant 0 : i32
      %dma_wait3A_44 = tpu.memref_slice %arg4[%add3A_21, %dma_wait3A] : memref<2560x128xi32, #tpu.memory_space<hbm>> -> memref<40x128xi32, #tpu.memory_space<hbm>>
      %dma_wait3A_45 = arith.constant 0 : i32
      %dma_wait3A_46 = tpu.memref_slice %arg4[%add3A_21, %dma_wait3A_45] : memref<2560x128xi32, #tpu.memory_space<hbm>> -> memref<40x128xi32, #tpu.memory_space<hbm>>
      tpu.wait_dma2 semaphore(%run_scoped3A : memref<!tpu.dma_semaphore, #tpu.memory_space<semaphore_mem>>) src(%dma_wait3A_46 : memref<40x128xi32, #tpu.memory_space<hbm>>) dst(%arg8 : memref<40x128xi32, #tpu.memory_space<vmem>>)
      tpu.yield
    }) : () -> ()
    %dma_start3A_22 = arith.constant 0 : i32
    %dma_start3A_23 = arith.constant 0 : i32
    %dma_start3A_24 = tpu.memref_slice %arg7[%dma_start3A_22, %dma_start3A_23] : memref<40x128xi32, #tpu.memory_space<vmem>> -> memref<1x128xi32, #tpu.memory_space<vmem>>
    %dma_start3A_25 = tpu.memref_squeeze %dma_start3A_24 : memref<1x128xi32, #tpu.memory_space<vmem>> -> memref<128xi32, #tpu.memory_space<vmem>>
    %dma_start3A_26 = arith.constant 0 : i32
    %dma_start3A_27 = arith.constant 0 : i32
    %dma_start3A_28 = tpu.memref_slice %arg2[%dma_start3A_26, %dma_start3A_27] : memref<10000x128xf32, #tpu.memory_space<hbm>> -> memref<10000x128xf32, #tpu.memory_space<hbm>>
    tpu.enqueue_indirect_dma source(%dma_start3A_28 : memref<10000x128xf32, #tpu.memory_space<hbm>>) target(%arg9 : memref<128x128xf32, #tpu.memory_space<vmem>>) offsets(%dma_start3A_25 : memref<128xi32, #tpu.memory_space<vmem>>) semaphore(%arg12 : memref<!tpu.dma_semaphore, #tpu.memory_space<semaphore_mem>>)
    %scan3A_29 = arith.constant 0 : i32
    %scan3A_30 = arith.constant 0 : i32
    %scan3A_31 = arith.constant 20 : i32
    %scan3A_32 = arith.addi %scan3A_30, %scan3A_31 : i32
    %scan3A_33 = arith.constant 1 : i32
    scf.for %scan3A_40 = %scan3A_30 to %scan3A_32 step %scan3A_33  : i32 {
      %mul3A_41 = arith.constant 2 : i32
      %mul3A_42 = arith.muli %mul3A_41, %scan3A_40 : i32
      %mul3A_43 = arith.constant 2 : i32
      %mul3A_44 = arith.muli %mul3A_43, %scan3A_40 : i32
      %add3A_45 = arith.constant 1 : i32
      %add3A_46 = arith.addi %mul3A_44, %add3A_45 : i32
      %dma_start3A_47 = arith.constant 0 : i32
      %dma_start3A_48 = tpu.memref_slice %arg7[%add3A_46, %dma_start3A_47] : memref<40x128xi32, #tpu.memory_space<vmem>> -> memref<1x128xi32, #tpu.memory_space<vmem>>
      %dma_start3A_49 = tpu.memref_squeeze %dma_start3A_48 : memref<1x128xi32, #tpu.memory_space<vmem>> -> memref<128xi32, #tpu.memory_space<vmem>>
      %dma_start3A_50 = arith.constant 0 : i32
      %dma_start3A_51 = arith.constant 0 : i32
      %dma_start3A_52 = tpu.memref_slice %arg2[%dma_start3A_50, %dma_start3A_51] : memref<10000x128xf32, #tpu.memory_space<hbm>> -> memref<10000x128xf32, #tpu.memory_space<hbm>>
      tpu.enqueue_indirect_dma source(%dma_start3A_52 : memref<10000x128xf32, #tpu.memory_space<hbm>>) target(%arg10 : memref<128x128xf32, #tpu.memory_space<vmem>>) offsets(%dma_start3A_49 : memref<128xi32, #tpu.memory_space<vmem>>) semaphore(%arg13 : memref<!tpu.dma_semaphore, #tpu.memory_space<semaphore_mem>>)
      %dma_wait3A = arith.constant 0 : i32
      %dma_wait3A_53 = tpu.memref_slice %arg7[%mul3A_42, %dma_wait3A] : memref<40x128xi32, #tpu.memory_space<vmem>> -> memref<1x128xi32, #tpu.memory_space<vmem>>
      %dma_wait3A_54 = tpu.memref_squeeze %dma_wait3A_53 : memref<1x128xi32, #tpu.memory_space<vmem>> -> memref<128xi32, #tpu.memory_space<vmem>>
      %dma_wait3A_55 = arith.constant 0 : i32
      %dma_wait3A_56 = arith.constant 0 : i32
      %dma_wait3A_57 = tpu.memref_slice %arg2[%dma_wait3A_55, %dma_wait3A_56] : memref<10000x128xf32, #tpu.memory_space<hbm>> -> memref<10000x128xf32, #tpu.memory_space<hbm>>
      tpu.wait_indirect_dma semaphore(%arg12 : memref<!tpu.dma_semaphore, #tpu.memory_space<semaphore_mem>>) src(%dma_wait3A_57 : memref<10000x128xf32, #tpu.memory_space<hbm>>) dst(%arg9 : memref<128x128xf32, #tpu.memory_space<vmem>>)
      "tpu.region"() ({
        %run_scoped3A = tpu.sem_alloc : memref<!tpu.dma_semaphore, #tpu.memory_space<semaphore_mem>>
        %dma_start3A_68 = arith.constant 0 : i32
        %dma_start3A_69 = tpu.memref_slice %arg8[%mul3A_42, %dma_start3A_68] : memref<40x128xi32, #tpu.memory_space<vmem>> -> memref<1x128xi32, #tpu.memory_space<vmem>>
        %dma_start3A_70 = tpu.memref_squeeze %dma_start3A_69 : memref<1x128xi32, #tpu.memory_space<vmem>> -> memref<128xi32, #tpu.memory_space<vmem>>
        %dma_start3A_71 = arith.constant 0 : i32
        %dma_start3A_72 = arith.constant 0 : i32
        %dma_start3A_73 = tpu.memref_slice %arg11[%dma_start3A_71, %dma_start3A_72] : memref<10112x128xf32, #tpu.memory_space<vmem_shared>> -> memref<10112x128xf32, #tpu.memory_space<vmem_shared>>
        tpu.enqueue_indirect_dma source(%arg9 : memref<128x128xf32, #tpu.memory_space<vmem>>) target(%dma_start3A_73 : memref<10112x128xf32, #tpu.memory_space<vmem_shared>>) offsets(%dma_start3A_70 : memref<128xi32, #tpu.memory_space<vmem>>) semaphore(%run_scoped3A : memref<!tpu.dma_semaphore, #tpu.memory_space<semaphore_mem>>) {add = true}
        %dma_wait3A_74 = arith.constant 0 : i32
        %dma_wait3A_75 = tpu.memref_slice %arg8[%mul3A_42, %dma_wait3A_74] : memref<40x128xi32, #tpu.memory_space<vmem>> -> memref<1x128xi32, #tpu.memory_space<vmem>>
        %dma_wait3A_76 = tpu.memref_squeeze %dma_wait3A_75 : memref<1x128xi32, #tpu.memory_space<vmem>> -> memref<128xi32, #tpu.memory_space<vmem>>
        %dma_wait3A_77 = arith.constant 0 : i32
        %dma_wait3A_78 = arith.constant 0 : i32
        %dma_wait3A_79 = tpu.memref_slice %arg11[%dma_wait3A_77, %dma_wait3A_78] : memref<10112x128xf32, #tpu.memory_space<vmem_shared>> -> memref<10112x128xf32, #tpu.memory_space<vmem_shared>>
        tpu.wait_indirect_dma semaphore(%run_scoped3A : memref<!tpu.dma_semaphore, #tpu.memory_space<semaphore_mem>>) src(%arg9 : memref<128x128xf32, #tpu.memory_space<vmem>>) dst(%dma_wait3A_79 : memref<10112x128xf32, #tpu.memory_space<vmem_shared>>)
        tpu.yield
      }) : () -> ()
      %add3A_58 = arith.constant 1 : i32
      %add3A_59 = arith.addi %add3A_46, %add3A_58 : i32
      %lt3A = arith.constant 40 : i32
      %lt3A_60 = arith.cmpi slt, %add3A_59, %lt3A : i32
      %convert_element_type3A = arith.extui %lt3A_60 : i1 to i32
      %cond3A = arith.constant 0 : i32
      %cond3A_61 = arith.cmpi ne, %convert_element_type3A, %cond3A : i32
      scf.if %cond3A_61 {
        %add3A_68 = arith.constant 1 : i32
        %add3A_69 = arith.addi %add3A_46, %add3A_68 : i32
        %dma_start3A_70 = arith.constant 0 : i32
        %dma_start3A_71 = tpu.memref_slice %arg7[%add3A_69, %dma_start3A_70] : memref<40x128xi32, #tpu.memory_space<vmem>> -> memref<1x128xi32, #tpu.memory_space<vmem>>
        %dma_start3A_72 = tpu.memref_squeeze %dma_start3A_71 : memref<1x128xi32, #tpu.memory_space<vmem>> -> memref<128xi32, #tpu.memory_space<vmem>>
        %dma_start3A_73 = arith.constant 0 : i32
        %dma_start3A_74 = arith.constant 0 : i32
        %dma_start3A_75 = tpu.memref_slice %arg2[%dma_start3A_73, %dma_start3A_74] : memref<10000x128xf32, #tpu.memory_space<hbm>> -> memref<10000x128xf32, #tpu.memory_space<hbm>>
        tpu.enqueue_indirect_dma source(%dma_start3A_75 : memref<10000x128xf32, #tpu.memory_space<hbm>>) target(%arg9 : memref<128x128xf32, #tpu.memory_space<vmem>>) offsets(%dma_start3A_72 : memref<128xi32, #tpu.memory_space<vmem>>) semaphore(%arg12 : memref<!tpu.dma_semaphore, #tpu.memory_space<semaphore_mem>>)
      } else {
      }
      %dma_wait3A_62 = arith.constant 0 : i32
      %dma_wait3A_63 = tpu.memref_slice %arg7[%add3A_46, %dma_wait3A_62] : memref<40x128xi32, #tpu.memory_space<vmem>> -> memref<1x128xi32, #tpu.memory_space<vmem>>
      %dma_wait3A_64 = tpu.memref_squeeze %dma_wait3A_63 : memref<1x128xi32, #tpu.memory_space<vmem>> -> memref<128xi32, #tpu.memory_space<vmem>>
      %dma_wait3A_65 = arith.constant 0 : i32
      %dma_wait3A_66 = arith.constant 0 : i32
      %dma_wait3A_67 = tpu.memref_slice %arg2[%dma_wait3A_65, %dma_wait3A_66] : memref<10000x128xf32, #tpu.memory_space<hbm>> -> memref<10000x128xf32, #tpu.memory_space<hbm>>
      tpu.wait_indirect_dma semaphore(%arg13 : memref<!tpu.dma_semaphore, #tpu.memory_space<semaphore_mem>>) src(%dma_wait3A_67 : memref<10000x128xf32, #tpu.memory_space<hbm>>) dst(%arg10 : memref<128x128xf32, #tpu.memory_space<vmem>>)
      "tpu.region"() ({
        %run_scoped3A = tpu.sem_alloc : memref<!tpu.dma_semaphore, #tpu.memory_space<semaphore_mem>>
        %dma_start3A_68 = arith.constant 0 : i32
        %dma_start3A_69 = tpu.memref_slice %arg8[%add3A_46, %dma_start3A_68] : memref<40x128xi32, #tpu.memory_space<vmem>> -> memref<1x128xi32, #tpu.memory_space<vmem>>
        %dma_start3A_70 = tpu.memref_squeeze %dma_start3A_69 : memref<1x128xi32, #tpu.memory_space<vmem>> -> memref<128xi32, #tpu.memory_space<vmem>>
        %dma_start3A_71 = arith.constant 0 : i32
        %dma_start3A_72 = arith.constant 0 : i32
        %dma_start3A_73 = tpu.memref_slice %arg11[%dma_start3A_71, %dma_start3A_72] : memref<10112x128xf32, #tpu.memory_space<vmem_shared>> -> memref<10112x128xf32, #tpu.memory_space<vmem_shared>>
        tpu.enqueue_indirect_dma source(%arg10 : memref<128x128xf32, #tpu.memory_space<vmem>>) target(%dma_start3A_73 : memref<10112x128xf32, #tpu.memory_space<vmem_shared>>) offsets(%dma_start3A_70 : memref<128xi32, #tpu.memory_space<vmem>>) semaphore(%run_scoped3A : memref<!tpu.dma_semaphore, #tpu.memory_space<semaphore_mem>>) {add = true}
        %dma_wait3A_74 = arith.constant 0 : i32
        %dma_wait3A_75 = tpu.memref_slice %arg8[%add3A_46, %dma_wait3A_74] : memref<40x128xi32, #tpu.memory_space<vmem>> -> memref<1x128xi32, #tpu.memory_space<vmem>>
        %dma_wait3A_76 = tpu.memref_squeeze %dma_wait3A_75 : memref<1x128xi32, #tpu.memory_space<vmem>> -> memref<128xi32, #tpu.memory_space<vmem>>
        %dma_wait3A_77 = arith.constant 0 : i32
        %dma_wait3A_78 = arith.constant 0 : i32
        %dma_wait3A_79 = tpu.memref_slice %arg11[%dma_wait3A_77, %dma_wait3A_78] : memref<10112x128xf32, #tpu.memory_space<vmem_shared>> -> memref<10112x128xf32, #tpu.memory_space<vmem_shared>>
        tpu.wait_indirect_dma semaphore(%run_scoped3A : memref<!tpu.dma_semaphore, #tpu.memory_space<semaphore_mem>>) src(%arg10 : memref<128x128xf32, #tpu.memory_space<vmem>>) dst(%dma_wait3A_79 : memref<10112x128xf32, #tpu.memory_space<vmem_shared>>)
        tpu.yield
      }) : () -> ()
    }
    %scan3A_34 = arith.constant 20 : i32
    %barrier3A_35 = arith.constant 0 : index
    tpu.barrier barrier_id(%barrier3A_35)
    %mul3A_36 = arith.constant 632 : i32
    %mul3A_37 = arith.muli %arg1, %mul3A_36 : i32
    %mul3A_38 = arith.constant 632 : i32
    %mul3A_39 = arith.muli %arg1, %mul3A_38 : i32
    "tpu.region"() ({
      %run_scoped3A = tpu.sem_alloc : memref<!tpu.dma_semaphore, #tpu.memory_space<semaphore_mem>>
      %dma_start3A_40 = arith.constant 0 : i32
      %dma_start3A_41 = tpu.memref_slice %arg6[%arg0, %mul3A_39, %dma_start3A_40] : memref<2x10112x128xf32, #tpu.memory_space<hbm>> -> memref<1x632x128xf32, #tpu.memory_space<hbm>>
      %dma_start3A_42 = tpu.memref_squeeze %dma_start3A_41 : memref<1x632x128xf32, #tpu.memory_space<hbm>> -> memref<632x128xf32, #tpu.memory_space<hbm>>
      %dma_start3A_43 = arith.constant 0 : i32
      %dma_start3A_44 = tpu.memref_slice %arg11[%mul3A_37, %dma_start3A_43] : memref<10112x128xf32, #tpu.memory_space<vmem_shared>> -> memref<632x128xf32, #tpu.memory_space<vmem_shared>>
      tpu.enqueue_dma source(%dma_start3A_44 : memref<632x128xf32, #tpu.memory_space<vmem_shared>>) target(%dma_start3A_42 : memref<632x128xf32, #tpu.memory_space<hbm>>) target_semaphore(%run_scoped3A : memref<!tpu.dma_semaphore, #tpu.memory_space<semaphore_mem>>)
      %dma_wait3A = arith.constant 0 : i32
      %dma_wait3A_45 = tpu.memref_slice %arg6[%arg0, %mul3A_39, %dma_wait3A] : memref<2x10112x128xf32, #tpu.memory_space<hbm>> -> memref<1x632x128xf32, #tpu.memory_space<hbm>>
      %dma_wait3A_46 = tpu.memref_squeeze %dma_wait3A_45 : memref<1x632x128xf32, #tpu.memory_space<hbm>> -> memref<632x128xf32, #tpu.memory_space<hbm>>
      %dma_wait3A_47 = arith.constant 0 : i32
      %dma_wait3A_48 = tpu.memref_slice %arg11[%mul3A_37, %dma_wait3A_47] : memref<10112x128xf32, #tpu.memory_space<vmem_shared>> -> memref<632x128xf32, #tpu.memory_space<vmem_shared>>
      tpu.wait_dma2 semaphore(%run_scoped3A : memref<!tpu.dma_semaphore, #tpu.memory_space<semaphore_mem>>) src(%dma_wait3A_48 : memref<632x128xf32, #tpu.memory_space<vmem_shared>>) dst(%dma_wait3A_46 : memref<632x128xf32, #tpu.memory_space<hbm>>)
      tpu.yield
    }) : () -> ()
    return
  }
}

module attributes {stable_mosaic.version = 14 : i64} {
  func.func @_mm_body(%arg0: i32, %arg1: memref<1000x128xf32, #tpu.memory_space<vmem>>, %arg2: memref<128x128xf32, #tpu.memory_space<vmem>>, %arg3: memref<1000x128xf32, #tpu.memory_space<vmem>>) attributes {dimension_semantics = [#tpu.dimension_semantics<arbitrary>], iteration_bounds = array<i64: 10>, scalar_prefetch = 0 : i64, scratch_operands = 0 : i64, tpu.core_type = #tpu.core_type<tc>, window_params = [{transform_indices = @transform_0, window_bounds = array<i64: 1000, 128>}, {pipeline_mode = #tpu.pipeline_mode<synchronous>, transform_indices = @transform_1, window_bounds = array<i64: 128, 128>}, {transform_indices = @transform_2, window_bounds = array<i64: 1000, 128>}]} {
    %get3A = arith.constant 0 : index
    %get3A_0 = arith.constant 0 : index
    %get3A_1 = vector.load %arg1[%get3A, %get3A_0] : memref<1000x128xf32, #tpu.memory_space<vmem>>, vector<1000x128xf32>
    %get3A_2 = arith.constant 0 : index
    %get3A_3 = arith.constant 0 : index
    %get3A_4 = vector.load %arg2[%get3A_2, %get3A_3] : memref<128x128xf32, #tpu.memory_space<vmem>>, vector<128x128xf32>
    %dot_general3A = arith.constant dense<0.000000e+00> : vector<1000x128xf32>
    %dot_general3A_5 = tpu.matmul %get3A_1, %get3A_4, %dot_general3A {dimension_numbers = #tpu.dot_dimension_numbers<[1], [0], [0], [1], [0, 0, 1, 1], [], []>, transpose_lhs_hint = false} : vector<1000x128xf32>, vector<128x128xf32>, vector<1000x128xf32> -> vector<1000x128xf32>
    %swap3A = arith.constant 0 : index
    %swap3A_6 = arith.constant 0 : index
    %swap3A_7 = vector.load %arg3[%swap3A, %swap3A_6] : memref<1000x128xf32, #tpu.memory_space<vmem>>, vector<1000x128xf32>
    tpu.vector_store %arg3[%swap3A, %swap3A_6], %dot_general3A_5 {strides = array<i32>} : memref<1000x128xf32, #tpu.memory_space<vmem>>, vector<1000x128xf32>,
    return
  }
  func.func @transform_0(%arg0: i32) -> (i32, i32) {
    %c0_i32 = arith.constant 0 : i32
    %c0_i32_0 = arith.constant 0 : i32
    return %arg0, %c0_i32 : i32, i32
  }
  func.func @transform_1(%arg0: i32) -> (i32, i32) {
    %c0_i32 = arith.constant 0 : i32
    %c0_i32_0 = arith.constant 0 : i32
    %c0_i32_1 = arith.constant 0 : i32
    return %c0_i32, %c0_i32_0 : i32, i32
  }
  func.func @transform_2(%arg0: i32) -> (i32, i32) {
    %c0_i32 = arith.constant 0 : i32
    %c0_i32_0 = arith.constant 0 : i32
    return %arg0, %c0_i32 : i32, i32
  }
}

module attributes {stable_mosaic.version = 14 : i64} {
  func.func @_scale_body(%arg0: i32, %arg1: memref<1000x128xf32, #tpu.memory_space<vmem>>, %arg2: memref<2x1000x16xf32, #tpu.memory_space<vmem>>, %arg3: memref<1000x128xf32, #tpu.memory_space<vmem>>) attributes {dimension_semantics = [#tpu.dimension_semantics<arbitrary>], iteration_bounds = array<i64: 10>, scalar_prefetch = 0 : i64, scratch_operands = 0 : i64, tpu.core_type = #tpu.core_type<tc>, window_params = [{transform_indices = @transform_0, window_bounds = array<i64: 1000, 128>}, {transform_indices = @transform_1, window_bounds = array<i64: 2, 1000, 16>}, {transform_indices = @transform_2, window_bounds = array<i64: 1000, 128>}]} {
    %get3A = arith.constant 0 : index
    %get3A_0 = arith.constant 0 : index
    %get3A_1 = arith.constant 0 : index
    %get3A_2 = vector.load %arg2[%get3A, %get3A_0, %get3A_1] : memref<2x1000x16xf32, #tpu.memory_space<vmem>>, vector<1x1000x1xf32>
    %get3A_3 = vector.shape_cast %get3A_2 : vector<1x1000x1xf32> to vector<1000x1xf32>
    %get3A_4 = arith.constant 1 : index
    %get3A_5 = arith.constant 0 : index
    %get3A_6 = arith.constant 0 : index
    %get3A_7 = vector.load %arg2[%get3A_4, %get3A_5, %get3A_6] : memref<2x1000x16xf32, #tpu.memory_space<vmem>>, vector<1x1000x1xf32>
    %get3A_8 = vector.shape_cast %get3A_7 : vector<1x1000x1xf32> to vector<1000x1xf32>
    %add3A = arith.addf %get3A_3, %get3A_8 : vector<1000x1xf32>
    %add3A_9 = arith.constant 2.000000e+00 : f32
    %add3A_10 = vector.broadcast %add3A_9 : f32 to vector<1000x1xf32>
    %add3A_11 = arith.addf %add3A, %add3A_10 : vector<1000x1xf32>
    %rsqrt3A = math.rsqrt %add3A_11 : vector<1000x1xf32>
    %get3A_12 = arith.constant 0 : index
    %get3A_13 = arith.constant 0 : index
    %get3A_14 = vector.load %arg1[%get3A_12, %get3A_13] : memref<1000x128xf32, #tpu.memory_space<vmem>>, vector<1000x128xf32>
    %mul3A = vector.broadcast %rsqrt3A : vector<1000x1xf32> to vector<1000x128xf32>
    %mul3A_15 = arith.mulf %get3A_14, %mul3A : vector<1000x128xf32>
    %swap3A = arith.constant 0 : index
    %swap3A_16 = arith.constant 0 : index
    %swap3A_17 = vector.load %arg3[%swap3A, %swap3A_16] : memref<1000x128xf32, #tpu.memory_space<vmem>>, vector<1000x128xf32>
    tpu.vector_store %arg3[%swap3A, %swap3A_16], %mul3A_15 {strides = array<i32>} : memref<1000x128xf32, #tpu.memory_space<vmem>>, vector<1000x128xf32>,
    return
  }
  func.func @transform_0(%arg0: i32) -> (i32, i32) {
    %c0_i32 = arith.constant 0 : i32
    %c0_i32_0 = arith.constant 0 : i32
    return %arg0, %c0_i32 : i32, i32
  }
  func.func @transform_1(%arg0: i32) -> (i32, i32, i32) {
    %c0_i32 = arith.constant 0 : i32
    %c0_i32_0 = arith.constant 0 : i32
    %c0_i32_1 = arith.constant 0 : i32
    return %c0_i32, %arg0, %c0_i32_0 : i32, i32, i32
  }
  func.func @transform_2(%arg0: i32) -> (i32, i32) {
    %c0_i32 = arith.constant 0 : i32
    %c0_i32_0 = arith.constant 0 : i32
    return %arg0, %c0_i32 : i32, i32
  }
}

module attributes {stable_mosaic.version = 14 : i64} {
  func.func @_combine_body(%arg0: i32, %arg1: memref<2x1000x128xf32, #tpu.memory_space<vmem>>, %arg2: memref<1000x128xf32, #tpu.memory_space<vmem>>, %arg3: memref<2x1000x16xf32, #tpu.memory_space<vmem>>, %arg4: memref<1x128xf32, #tpu.memory_space<vmem>>, %arg5: memref<1000x128xf32, #tpu.memory_space<vmem>>) attributes {dimension_semantics = [#tpu.dimension_semantics<arbitrary>], iteration_bounds = array<i64: 10>, scalar_prefetch = 0 : i64, scratch_operands = 0 : i64, tpu.core_type = #tpu.core_type<tc>, window_params = [{transform_indices = @transform_0, window_bounds = array<i64: 2, 1000, 128>}, {transform_indices = @transform_1, window_bounds = array<i64: 1000, 128>}, {transform_indices = @transform_2, window_bounds = array<i64: 2, 1000, 16>}, {pipeline_mode = #tpu.pipeline_mode<synchronous>, transform_indices = @transform_3, window_bounds = array<i64: 1, 128>}, {transform_indices = @transform_4, window_bounds = array<i64: 1000, 128>}]} {
    %get3A = arith.constant 0 : index
    %get3A_0 = arith.constant 0 : index
    %get3A_1 = arith.constant 0 : index
    %get3A_2 = vector.load %arg3[%get3A, %get3A_0, %get3A_1] : memref<2x1000x16xf32, #tpu.memory_space<vmem>>, vector<1x1000x1xf32>
    %get3A_3 = vector.shape_cast %get3A_2 : vector<1x1000x1xf32> to vector<1000x1xf32>
    %get3A_4 = arith.constant 1 : index
    %get3A_5 = arith.constant 0 : index
    %get3A_6 = arith.constant 0 : index
    %get3A_7 = vector.load %arg3[%get3A_4, %get3A_5, %get3A_6] : memref<2x1000x16xf32, #tpu.memory_space<vmem>>, vector<1x1000x1xf32>
    %get3A_8 = vector.shape_cast %get3A_7 : vector<1x1000x1xf32> to vector<1000x1xf32>
    %add3A = arith.addf %get3A_3, %get3A_8 : vector<1000x1xf32>
    %add3A_9 = arith.constant 2.000000e+00 : f32
    %add3A_10 = vector.broadcast %add3A_9 : f32 to vector<1000x1xf32>
    %add3A_11 = arith.addf %add3A, %add3A_10 : vector<1000x1xf32>
    %rsqrt3A = math.rsqrt %add3A_11 : vector<1000x1xf32>
    %get3A_12 = arith.constant 0 : index
    %get3A_13 = arith.constant 0 : index
    %get3A_14 = arith.constant 0 : index
    %get3A_15 = vector.load %arg1[%get3A_12, %get3A_13, %get3A_14] : memref<2x1000x128xf32, #tpu.memory_space<vmem>>, vector<1x1000x128xf32>
    %get3A_16 = vector.shape_cast %get3A_15 : vector<1x1000x128xf32> to vector<1000x128xf32>
    %get3A_17 = arith.constant 1 : index
    %get3A_18 = arith.constant 0 : index
    %get3A_19 = arith.constant 0 : index
    %get3A_20 = vector.load %arg1[%get3A_17, %get3A_18, %get3A_19] : memref<2x1000x128xf32, #tpu.memory_space<vmem>>, vector<1x1000x128xf32>
    %get3A_21 = vector.shape_cast %get3A_20 : vector<1x1000x128xf32> to vector<1000x128xf32>
    %add3A_22 = arith.addf %get3A_16, %get3A_21 : vector<1000x128xf32>
    %get3A_23 = arith.constant 0 : index
    %get3A_24 = arith.constant 0 : index
    %get3A_25 = vector.load %arg2[%get3A_23, %get3A_24] : memref<1000x128xf32, #tpu.memory_space<vmem>>, vector<1000x128xf32>
    %mul3A = arith.constant 2.000000e+00 : f32
    %mul3A_26 = vector.broadcast %mul3A : f32 to vector<1000x128xf32>
    %mul3A_27 = arith.mulf %mul3A_26, %get3A_25 : vector<1000x128xf32>
    %add3A_28 = arith.addf %add3A_22, %mul3A_27 : vector<1000x128xf32>
    %mul3A_29 = vector.broadcast %rsqrt3A : vector<1000x1xf32> to vector<1000x128xf32>
    %mul3A_30 = arith.mulf %add3A_28, %mul3A_29 : vector<1000x128xf32>
    %get3A_31 = arith.constant 0 : index
    %get3A_32 = arith.constant 0 : index
    %get3A_33 = vector.load %arg4[%get3A_31, %get3A_32] : memref<1x128xf32, #tpu.memory_space<vmem>>, vector<1x128xf32>
    %add3A_34 = vector.broadcast %get3A_33 : vector<1x128xf32> to vector<1000x128xf32>
    %add3A_35 = arith.addf %mul3A_30, %add3A_34 : vector<1000x128xf32>
    %swap3A = arith.constant 0 : index
    %swap3A_36 = arith.constant 0 : index
    %swap3A_37 = vector.load %arg5[%swap3A, %swap3A_36] : memref<1000x128xf32, #tpu.memory_space<vmem>>, vector<1000x128xf32>
    tpu.vector_store %arg5[%swap3A, %swap3A_36], %add3A_35 {strides = array<i32>} : memref<1000x128xf32, #tpu.memory_space<vmem>>, vector<1000x128xf32>,
    return
  }
  func.func @transform_0(%arg0: i32) -> (i32, i32, i32) {
    %c0_i32 = arith.constant 0 : i32
    %c0_i32_0 = arith.constant 0 : i32
    %c0_i32_1 = arith.constant 0 : i32
    return %c0_i32, %arg0, %c0_i32_0 : i32, i32, i32
  }
  func.func @transform_1(%arg0: i32) -> (i32, i32) {
    %c0_i32 = arith.constant 0 : i32
    %c0_i32_0 = arith.constant 0 : i32
    return %arg0, %c0_i32 : i32, i32
  }
  func.func @transform_2(%arg0: i32) -> (i32, i32, i32) {
    %c0_i32 = arith.constant 0 : i32
    %c0_i32_0 = arith.constant 0 : i32
    %c0_i32_1 = arith.constant 0 : i32
    return %c0_i32, %arg0, %c0_i32_0 : i32, i32, i32
  }
  func.func @transform_3(%arg0: i32) -> (i32, i32) {
    %c0_i32 = arith.constant 0 : i32
    %c0_i32_0 = arith.constant 0 : i32
    %c0_i32_1 = arith.constant 0 : i32
    return %c0_i32, %c0_i32_0 : i32, i32
  }
  func.func @transform_4(%arg0: i32) -> (i32, i32) {
    %c0_i32 = arith.constant 0 : i32
    %c0_i32_0 = arith.constant 0 : i32
    return %arg0, %c0_i32 : i32, i32
  }
}

</mosaic_0001>

<sc_bundles>
// kernel: kernel.10.cloned.1.call-start
scs
__scs_entry_jumppad:
0x0: {  	(pc) =	sbr.rel $0x88, $3  }
0x1: {  	(tag) =	ssettag $0x0;
	lr =	simm.s32 $0x1  }
0x2: {  	[smem:$0x3F9D] =	sst lr;
	_ =	strace $0xD0000000  }
0x3: {  	_ = 	snop  }
0x4: {  	_ = 	snop  }
0x5: {  	_ = 	snop  }
0x6: {  	_ = 	snop  }
0x7: {  	_ = 	snop  }
__scs_overlays_trampoline_lowered:
0x8: {  	[smem:$0x3FAC] =	sst s0  }
0x9: {  	[smem:$0x3FAD] =	sst s1  }
0xa: {  	[smem:$0x3FAE] =	sst s2  }
0xb: {  	[smem:$0x3FAF] =	sst s3  }
0xc: {  	[smem:$0x3FB0] =	sst s4  }
0xd: {  	[smem:$0x3FB1] =	sst s5  }
0xe: {  	[smem:$0x3FB2] =	sst s6  }
0xf: {  	[smem:$0x3FB3] =	sst s7  }
0x10: {  	[smem:$0x3FB4] =	sst s8  }
0x11: {  	[smem:$0x3FB5] =	sst s9;
	s0 =	simm.s32 @!p0 $0x0  }
0x12: {  	s1 =	sld [smem:$0x3F9B];
	s0 =	simm.s32 @p0 $0x1  }
0x13: {  	[smem:$0x3FB6] =	sst s0;
	s0 =	simm.s32 @!p1 $0x0  }
0x14: {  	s2 =	sld [smem:$0x3F9A];
	s0 =	simm.s32 @p1 $0x1  }
0x15: {  	[smem:$0x3FB7] =	sst s0;
	s0 =	simm.s32 @!p2 $0x0  }
0x16: {  	s3 =	sld [smem:$0x3FDB];
	s0 =	simm.s32 @p2 $0x1  }
0x17: {  	s4 =	simm.s32 $0x1BF5;
	[smem:$0x3FB9] =	sst s0  }
0x18: {  	s0 =	sld [smem:$0x3F9C];
	_ =	swait.ge [sflag:s4], $0x0  }
0x19: {  	s7 =	sld [smem:$0x3F9D]  }
0x1a: {  	s8 =	sadd.s32 $0xFFFFE003, lr  }
0x1b: {  	s9 =	sadd.s32 $0xFFFFFEF7, lr;
	s5 =	simm.s32 $0xFFFFFFFF;
	p2 =	slt.u32 s8, $0xFFFFF086  }
0x1c: {  	p1 =	slt.u32 s9, $0xF7A;
	s5 =	simm.s32 @!p2 $0x0  }
0x1d: {  	s5 =	simm.s32 @p1 $0x1;
	p0 =	seq.s32 s7, s2  }
0x1e: {  	s7 =	smul.u32 @!p0 $0xF7A, s2;
	p2 =	seq.s32 @!p0 s5, $0x0  }
0x1f: {  	s9 =	smul.u32 $0xF7A, s1;
	s8 =	simm.s32 @!p0 $0x1BF5;
	p2 =	por !p2, p0  }
0x20: {  	[sflag:s8] =	ssyncset.s32 @!p0 $0xFFFFF086;
	s6 =	sadd.s32 @!p0 s3, s7;
	s7 =	simm.s32 @!p0 $0x108  }
0x21: {  	s3 =	sadd.s32 s3, s9;
	s6 =	sadd.s32 @!p0 $0x88, s6;
	s7 =	simm.s32 @p2 $0x1082  }
0x22: {  	[simem:s7], [sflag:s8] =	dma.local @!p0 [hbm:s6], $0xF7A  }
0x23: {  	s9 =	sor.u32 $0xD0000000, s2;
	s6 =	simm.s32 $0x108;
	_ =	swait.ge @!p0 [sflag:s8], $0x0  }
0x24: {  	s3 =	sadd.s32 $0x88, s3;
	s6 =	simm.s32 @!p1 $0x1082;
	[sflag:s4] =	ssyncset.s32 $0xFFFFF086  }
0x25: {  	[simem:s6], [sflag:s4] =	dma.local [hbm:s3], $0xF7A  }
0x26: {  	[smem:$0x3F9D] =	sst s1;
	(tag) =	ssettag s2;
	_ =	strace s9  }
0x27: {  	s1 =	sld [smem:$0x3FAD]  }
0x28: {  	s2 =	sld [smem:$0x3FAE]  }
0x29: {  	s4 =	sld [smem:$0x3FB0]  }
0x2a: {  	p0 =	seq.s32 s5, $0x0;
	s5 =	sld [smem:$0x3FB1]  }
0x2b: {  	s6 =	sld [smem:$0x3FB2]  }
0x2c: {  	s7 =	sld [smem:$0x3FB3]  }
0x2d: {  	s3 =	simm.s32 $0x108;
	s8 =	sld [smem:$0x3FB4]  }
0x2e: {  	s3 =	simm.s32 @!p0 $0x1082;
	s9 =	sld [smem:$0x3FB5]  }
0x2f: {  	lr =	sadd.s32 s0, s3;
	s0 =	sld [smem:$0x3FAC]  }
0x30: {  	s3 =	sld [smem:$0x3FAF]  }
0x31: {  	[smem:$0x3FB8] =	sst s10  }
0x32: {  	s10 =	sld [smem:$0x3FB6];
	_ =	sdelay $0x3  }
0x33: {  	p0 =	seq.s32 s10, $0x1;
	s10 =	sld [smem:$0x3FB8];
	_ =	sdelay $0x3  }
0x34: {  	[smem:$0x3FB8] =	sst s10  }
0x35: {  	s10 =	sld [smem:$0x3FB7];
	_ =	sdelay $0x3  }
0x36: {  	p1 =	seq.s32 s10, $0x1;
	s10 =	sld [smem:$0x3FB8];
	_ =	sdelay $0x3  }
0x37: {  	[smem:$0x3FB8] =	sst s10  }
0x38: {  	s10 =	sld [smem:$0x3FB9]  }
0x39: {  	_ = 	snop;
	(pc) =	sbr.ind lr, $3  }
0x3a: {  	_ = 	snop  }
0x3b: {  	_ = 	snop  }
0x3c: {  	p2 =	seq.s32 s10, $0x1;
	s10 =	sld [smem:$0x3FB8]  }
0x3d: {  	_ =	shalt  }
0x3e: {  	_ =	shalt  }
0x3f: {  	_ =	shalt  }
0x40: {  	_ =	shalt  }
0x41: {  	_ =	shalt  }
0x42: {  	_ =	shalt  }
0x43: {  	_ =	shalt  }
0x44: {  	_ =	shalt  }
0x45: {  	_ =	shalt  }
0x46: {  	_ =	shalt  }
0x47: {  	_ =	shalt  }
0x48: {  	_ =	shalt  }
0x49: {  	_ =	shalt  }
0x4a: {  	_ =	shalt  }
0x4b: {  	_ =	shalt  }
0x4c: {  	_ =	shalt  }
0x4d: {  	_ =	shalt  }
0x4e: {  	_ =	shalt  }
0x4f: {  	_ =	shalt  }
0x50: {  	_ =	shalt  }
0x51: {  	_ =	shalt  }
0x52: {  	_ =	shalt  }
0x53: {  	_ =	shalt  }
0x54: {  	_ =	shalt  }
0x55: {  	_ =	shalt  }
0x56: {  	_ =	shalt  }
0x57: {  	_ =	shalt  }
0x58: {  	_ =	shalt  }
0x59: {  	_ =	shalt  }
0x5a: {  	_ =	shalt  }
0x5b: {  	_ =	shalt  }
0x5c: {  	_ =	shalt  }
0x5d: {  	_ =	shalt  }
0x5e: {  	_ =	shalt  }
0x5f: {  	_ =	shalt  }
0x60: {  	_ =	shalt  }
0x61: {  	_ =	shalt  }
0x62: {  	_ =	shalt  }
0x63: {  	_ =	shalt  }
0x64: {  	_ =	shalt  }
0x65: {  	_ =	shalt  }
0x66: {  	_ =	shalt  }
0x67: {  	_ =	shalt  }
0x68: {  	_ =	shalt  }
0x69: {  	_ =	shalt  }
0x6a: {  	_ =	shalt  }
0x6b: {  	_ =	shalt  }
0x6c: {  	_ =	shalt  }
0x6d: {  	_ =	shalt  }
0x6e: {  	_ =	shalt  }
0x6f: {  	_ =	shalt  }
0x70: {  	_ =	shalt  }
0x71: {  	_ =	shalt  }
0x72: {  	_ =	shalt  }
0x73: {  	_ =	shalt  }
0x74: {  	_ =	shalt  }
0x75: {  	_ =	shalt  }
0x76: {  	_ =	shalt  }
0x77: {  	_ =	shalt  }
0x78: {  	_ =	shalt  }
0x79: {  	_ =	shalt  }
0x7a: {  	_ =	shalt  }
0x7b: {  	_ =	shalt  }
0x7c: {  	_ =	shalt  }
0x7d: {  	_ =	shalt  }
0x7e: {  	_ =	shalt  }
0x7f: {  	_ =	shalt  }
0x80: {  	_ =	shalt  }
0x81: {  	_ =	shalt  }
0x82: {  	_ =	shalt  }
0x83: {  	_ =	shalt  }
0x84: {  	_ =	shalt  }
0x85: {  	_ =	shalt  }
0x86: {  	_ =	shalt  }
0x87: {  	_ =	shalt  }
.Lfunc_end0:
.L_simem_size_0:
called_computation.1_lowered:
.L_overlay_start_0:
0x88: {  	s2 =	sld [smem:$0x3FD9]  }
0x89: {  	s3 =	sld [smem:$0x3FFE];
	_ =	sdelay $0x1  }
0x8a: {  	s1 =	srdreg.scid  }
0x8b: {  	s0 =	sand.u32 $0x1, s1  }
0x8c: {  	s17 =	sshll.u32 s0, $0xA;
	s2 =	sadd.s32 s3, s2  }
0x8d: {  	s2 =	sadd.s32 s2, s17  }
0x8e: {  	[smem:$0x3FC4] =	sst s2  }
0x8f: {  	_ = 	snop  }
0x90: {  	s2 =	sld [smem:$0x3FD0];
	(tm) =	ssettm $0x1  }
0x91: {  	s18 =	sld [smem:$0x3FFB];
	_ =	sdelay $0x3  }
0x92: {  	_ =	strace s18  }
0x93: {  	s3 =	sld [smem:$0x3FFC];
	_ =	sdelay $0x3  }
0x94: {  	_ =	strace s3  }
0x95: {  	s3 =	sld [smem:$0x3FFD];
	_ =	sdelay $0x3  }
0x96: {  	_ =	strace s3  }
0x97: {  	_ =	strace $0x8FFFFFFF  }
0x98: {  	s19 =	sld [smem:$0x3FDB];
	_ =	sdelay $0x1  }
0x99: {  	s4 =	simm.s32 $_scs_section_size  }
0x9a: {  	s5 =	simm.s32 $_size__tile_overlayer_lowered;
	s6 =	simm.s32 $_tile_overlayer_lowered  }
0x9b: {  	s22 =	simm.s32 $0x1BFF;
	s21 =	sshll.u32 s6, $0x1;
	s3 =	sadd.s32 s4, s19  }
0x9c: {  	s7 =	simm.s32 $0x0;
	s20 =	sshll.u32 s5, $0x1;
	s5 =	sadd.s32 s21, s3  }
0x9d: {  	[timem:s7], [sflag:s22] =	dma.local [hbm:s5], s20  }
0x9e: {  	_ =	swait.ge [sflag:s22], s20  }
0x9f: {  	s4 =	ssub.s32 $0x0, s20;
	[sflag:s22] =	ssyncset.done $0x0  }
0xa0: {  	[sflag:s22] =	ssyncadd.s32 s4;
	_ =	sdelay $0x1  }
0xa1: {  	s23 =	simm.s32 $0x1B8B  }
0xa2: {  	_ =	swait.ge [sflag:s23], $0x1  }
0xa3: {  	[sflag:s23] =	ssyncset.done $0x0  }
0xa4: {  	s25 =	simm.s32 $0x1B8E;
	s24 =	sld [smem:$0x3FFE];
	[sflag:s23] =	ssyncadd.s32 $0xFFFFFFFF  }
0xa5: {  	s26 =	simm.s32 $execute0_lowered;
	[smem:$0x3FD2] =	sst s25  }
0xa6: {  	s5 =	sshll.u32 s26, $0x1;
	_ =	strace $0x80000049;
	[dreg:$0x1] =	wrdreg $0xFFFFFFFF  }
0xa7: {  	s28 =	simm.s32 $_size_execute0_lowered;
	s3 =	sadd.s32 s3, s5;
	[dreg:$0x0] =	wrdreg $0x0  }
0xa8: {  	s5 =	sshll.u32 s28, $0x1;
	[dreg:$0x2] =	wrdreg s3  }
0xa9: {  	[dreg:$0x3] =	wrdreg s5  }
0xaa: {  	[dreg:$0x4] =	wrdreg $0xC0  }
0xab: {  	_ =	task [dreg:s7], $0x5FFFF  }
0xac: {  	[dreg:$0x1] =	wrdreg $0xFFFFFFFF  }
0xad: {  	[dreg:$0x0] =	wrdreg $0x60  }
0xae: {  	[dreg:$0x2] =	wrdreg s2  }
0xaf: {  	[dreg:$0x3] =	wrdreg s24  }
0xb0: {  	[dreg:$0x4] =	wrdreg $0xA8000  }
0xb1: {  	[dreg:$0x5] =	wrdreg $0x9  }
0xb2: {  	_ =	task.clear_ibuf [dreg:s7], $0x6FFFF;
	_ =	strace $0x90000049  }
0xb3: {  	s29 =	simm.s32 $0x9;
	_ =	strace $0x8000004B  }
0xb4: {  	_ =	swait.ge [sflag:s29], $0x1  }
0xb5: {  	[sflag:s29] =	ssyncadd.s32 $0xFFFFFFFF  }
0xb6: {  	_ =	strace $0x9000004B  }
0xb7: {  	_ =	sfence  }
0xb8: {  	s30 =	sld [smem:$0x0];
	_ =	sdelay $0x2  }
0xb9: {  	s31 =	sshll.u32 s1, $0xD;
	s1 =	sshrl.u32 s1, $0x2  }
0xba: {  	s3 =	sand.u32 $0x4000, s31;
	s1 =	sadd.s32 s1, s30  }
0xbb: {  	s0 =	sor.u32 s3, s0;
	s1 =	sshll.u32 s1, $0x11  }
0xbc: {  	s0 =	sor.u32 s1, s0  }
0xbd: {  	s0 =	sadd.s32 $0x8F2B, s0  }
0xbe: {  	[sflag:s0] =	ssyncadd.remote.s32 $0x1  }
0xbf: {  	_ =	sfence.sel $0xFFFF  }
0xc0: {  	[dreg:$0x0] =	wrdreg $0xFFFFFFFF;
	(pc) =	sbr.abs _section_cstart, $3  }
0xc1: {  	[dreg:$0x1] =	wrdreg $0xFFFFFFFF  }
0xc2: {  	_ =	task.clear_ibuf [dreg:s7], $0x2FFFF;
	_ =	strace $0x9FFFFFFF  }
0xc3: {  	(tm) =	ssettm $0x7FFFFFFF  }
tec
execute0_lowered:
.L_overlay_start_1:
0x0: {  	(tag) =	ssettag $0x1  }
0x1: {  	s1 =	rddreg [dreg:$0x0]  }
0x2: {  	s6 =	rddreg [dreg:$0x1]  }
0x3: {  	s2 =	rddreg [dreg:$0x2]  }
0x4: {  	s3 =	srdreg.scid;
	s0 =	rddreg [dreg:$0x3]  }
0x5: {  	s4 =	simm.s32 $0x0;
	s16 =	simm.s32 $0x80;
	s17 =	simm.s32 $0x2800  }
0x6: {  	s18 =	simm.s32 $0x6800;
	s19 =	simm.s32 $0x1;
	s20 =	simm.s32 $0x2  }
0x7: {  	s21 =	simm.s32 $0x1380;
	s22 =	simm.s32 $0x2700;
	s23 =	simm.s32 $0x2780  }
0x8: {  	s7 =	sand.u32 $0x1, s3;
	s3 =	stileid.u32;
	[smem:$0x7FF] =	sst s4  }
0x9: {  	s10 =	sadd.s32 $0x16000, s6;
	s11 =	sadd.s32 $0xC000, s6;
	s8 =	smul.u32 $0x13C000, s7  }
0xa: {  	s5 =	sadd.s32 $0x1A00, s6;
	s9 =	smul.u32 $0x13C00, s3;
	_ =	strace $0x8000004A  }
0xb: {  	s24 =	sshll.u32 s7, $0x4;
	s7 =	ssub.s32 $0x2, s7;
	s12 =	smul.u32 $0x4F000, s3  }
0xc: {  	s26 =	sshll.u32 s3, $0x6;
	s13 =	sshrl.u32 s7, $0x1;
	s8 =	sadd.s32 s9, s8  }
0xd: {  	s9 =	sor.u32 s3, s24;
	s13 =	ssub.s32 s7, s13;
	s25 =	sshrl.u32 s12, $0x2  }
0xe: {  	s24 =	simm.s32 $0x0;
	s8 =	sshrl.u32 s8, $0x3;
	s14 =	smul.u32 $0x2800, s9  }
0xf: {  	s28 =	smul.u32 $0x500, s9;
	s30 =	sadd.s32 s25, s2;
	s12 =	smax.u32 s13, $0x1  }
0x10: {  	s15 =	sadd.s32 s8, s6;
	s6 =	sor.u32 $0x1C03, s26;
	s29 =	sshrl.u32 s14, $0x3  }
0x11: {  	s13 =	sshrl.u32 s30, $0x3;
	s7 =	sadd.s32 s10, s28;
	s31 =	sadd.s32 $0x280, s29  }
0x12: {  	s8 =	sadd.s32 s11, s28;
	s14 =	simm.s32 $0x3;
	s9 =	sadd.s32 s10, s31  }
0x13: {  	s10 =	sadd.s32 s11, s31;
	s11 =	sadd.s32 $0x6F000, s15;
	s15 =	simm.s32 $0x1400  }
.LBB2_1:
0x14: {  	[spmem:s13], [sflag:s6] =	dma.local [hbm:s5], $0x2780  }
0x15: {  	_ =	swait.ge [sflag:s14], $0x2780  }
0x16: {  	[sflag:s14] =	ssyncset.done $0x0  }
0x17: {  	[sflag:s14] =	ssyncadd.s32 $0xFFFFD880  }
0x18: {  	[bflag:$0x0] =	sbarrier.arrive $0xFFFF  }
0x19: {  	[tilespmem:s4], [sflag:$0x3] =	stream.linear.gather [hbm4b:s7+s4], $0x1400, $0x38;
	[tilespmem:$0x1E400] =	vst v63  }
0x1a: {  	_ =	swait.ge [sflag:s14], $0x1400  }
0x1b: {  	[sflag:s14] =	ssyncset.done $0x0  }
0x1c: {  	[sflag:s14] =	ssyncadd.s32 $0xFFFFEC00  }
0x1d: {  	[tilespmem:s15], [sflag:$0x3] =	stream.linear.gather [hbm4b:s8+s4], $0x1400, $0x38;
	[tilespmem:$0x1E400] =	vst v63  }
0x1e: {  	_ =	swait.ge [sflag:s14], $0x1400  }
0x1f: {  	[sflag:s14] =	ssyncset.done $0x0  }
0x20: {  	[sflag:s14] =	ssyncadd.s32 $0xFFFFEC00  }
0x21: {  	[tilespmem:s17], [sflag:$0x1] =	stream.indirect.gather [hbm4b:s1+s16], $0x80, s4, s16, $0xb8;
	[tilespmem:$0x1E400] =	vst v63  }
0x22: {  	s25 =	simm.s32 $0x80  }
0x23: {  	[tilespmem:s18], [sflag:$0x2] =	stream.indirect.gather [hbm4b:s1+s16], $0x80, s25, s16, $0xb8;
	[tilespmem:$0x1E400] =	vst v63  }
0x24: {  	_ =	swait.ge [sflag:s19], $0x4000  }
0x25: {  	[sflag:s19] =	ssyncset.done $0x0  }
0x26: {  	s29 =	simm.s32 $0x1400;
	[sflag:s19] =	ssyncadd.s32 $0xFFFFC000  }
0x27: {  	[spmem:s2] =	stream.indirect.scatter.add.f32 [tilespmem:s17], [sflag:$0x3], $0x80, s29, s16, $0xb8;
	[tilespmem:$0x1E400] =	vst v63  }
0x28: {  	_ =	swait.ge [sflag:s14], $0x4000  }
0x29: {  	[sflag:s14] =	ssyncset.done $0x0  }
0x2a: {  	s30 =	simm.s32 $0x100;
	[sflag:s14] =	ssyncadd.s32 $0xFFFFC000  }
0x2b: {  	[tilespmem:s17], [sflag:$0x1] =	stream.indirect.gather [hbm4b:s1+s16], $0x80, s30, s16, $0xb8;
	[tilespmem:$0x1E400] =	vst v63  }
0x2c: {  	_ =	swait.ge [sflag:s20], $0x4000  }
0x2d: {  	[sflag:s20] =	ssyncset.done $0x0  }
0x2e: {  	s31 =	simm.s32 $0x1480;
	[sflag:s20] =	ssyncadd.s32 $0xFFFFC000  }
0x2f: {  	[spmem:s2] =	stream.indirect.scatter.add.f32 [tilespmem:s18], [sflag:$0x3], $0x80, s31, s16, $0xb8;
	[tilespmem:$0x1E400] =	vst v63  }
0x30: {  	_ =	swait.ge [sflag:s14], $0x4000  }
0x31: {  	s26 =	simm.s32 $0x800;
	s25 =	simm.s32 $0x100;
	[sflag:s14] =	ssyncset.done $0x0  }
.LBB2_2:
0x32: {  	s28 =	sadd.s32 $0x80, s25  }
0x33: {  	[sflag:s14] =	ssyncadd.s32 $0xFFFFC000;
	s29 =	smov.u32 s26;
	s30 =	sadd.s32 $0x400, s26  }
0x34: {  	[tilespmem:s18], [sflag:$0x2] =	stream.indirect.gather [hbm4b:s1+s16], $0x80, s28, s16, $0xb8;
	[tilespmem:$0x1E400] =	vst v63  }
0x35: {  	p0 =	sne.s32 s26, $0x4800;
	_ =	swait.ge [sflag:s19], $0x4000  }
0x36: {  	[sflag:s19] =	ssyncset.done $0x0  }
0x37: {  	s26 =	sadd.s32 $0x1400, s25;
	[sflag:s19] =	ssyncadd.s32 $0xFFFFC000  }
0x38: {  	[spmem:s2] =	stream.indirect.scatter.add.f32 [tilespmem:s17], [sflag:$0x3], $0x80, s26, s16, $0xb8;
	[tilespmem:$0x1E400] =	vst v63  }
0x39: {  	_ =	swait.ge [sflag:s14], $0x4000  }
0x3a: {  	[sflag:s14] =	ssyncset.done $0x0  }
0x3b: {  	s26 =	sadd.s32 $0x100, s25;
	[sflag:s14] =	ssyncadd.s32 $0xFFFFC000  }
0x3c: {  	[tilespmem:s17], [sflag:$0x1] =	stream.indirect.gather [hbm4b:s1+s16], $0x80, s26, s16, $0xb8;
	[tilespmem:$0x1E400] =	vst v63  }
0x3d: {  	_ =	swait.ge [sflag:s20], $0x4000  }
.Ltmp0:
0x3e: {  	[sflag:s20] =	ssyncset.done $0x0;
	(pc) =	sbr.rel @p0 .LBB2_2-.Ltmp0, $4  }
0x3f: {  	s25 =	sadd.s32 $0x1480, s25;
	[sflag:s20] =	ssyncadd.s32 $0xFFFFC000  }
0x40: {  	[spmem:s2] =	stream.indirect.scatter.add.f32 [tilespmem:s18], [sflag:$0x3], $0x80, s25, s16, $0xb8;
	[tilespmem:$0x1E400] =	vst v63  }
0x41: {  	_ =	swait.ge [sflag:s14], $0x4000  }
0x42: {  	s26 =	smov.u32 s30;
	s25 =	sshra.s32 s29, $0x2;
	[sflag:s14] =	ssyncset.done $0x0  }
0x43: {  	s26 =	sadd.s32 $0x80, s25;
	[sflag:s14] =	ssyncadd.s32 $0xFFFFC000  }
0x44: {  	[tilespmem:s18], [sflag:$0x2] =	stream.indirect.gather [hbm4b:s1+s16], $0x80, s26, s16, $0xb8;
	[tilespmem:$0x1E400] =	vst v63  }
0x45: {  	_ =	swait.ge [sflag:s19], $0x4000  }
0x46: {  	[sflag:s19] =	ssyncset.done $0x0  }
0x47: {  	s29 =	sadd.s32 $0x1400, s25;
	[sflag:s19] =	ssyncadd.s32 $0xFFFFC000  }
0x48: {  	[spmem:s2] =	stream.indirect.scatter.add.f32 [tilespmem:s17], [sflag:$0x3], $0x80, s29, s16, $0xb8;
	[tilespmem:$0x1E400] =	vst v63  }
0x49: {  	_ =	swait.ge [sflag:s14], $0x4000  }
0x4a: {  	[sflag:s14] =	ssyncset.done $0x0  }
0x4b: {  	s30 =	sadd.s32 $0x100, s25;
	[sflag:s14] =	ssyncadd.s32 $0xFFFFC000  }
0x4c: {  	[tilespmem:s17], [sflag:$0x1] =	stream.indirect.gather [hbm4b:s1+s16], $0x80, s30, s16, $0xb8;
	[tilespmem:$0x1E400] =	vst v63  }
0x4d: {  	_ =	swait.ge [sflag:s20], $0x4000  }
0x4e: {  	[sflag:s20] =	ssyncset.done $0x0  }
0x4f: {  	s31 =	sadd.s32 $0x1480, s25;
	[sflag:s20] =	ssyncadd.s32 $0xFFFFC000  }
0x50: {  	[spmem:s2] =	stream.indirect.scatter.add.f32 [tilespmem:s18], [sflag:$0x3], $0x80, s31, s16, $0xb8;
	[tilespmem:$0x1E400] =	vst v63  }
0x51: {  	_ =	swait.ge [sflag:s14], $0x4000  }
0x52: {  	[sflag:s14] =	ssyncset.done $0x0  }
0x53: {  	[sflag:s14] =	ssyncadd.s32 $0xFFFFC000  }
0x54: {  	[tilespmem:s18], [sflag:$0x2] =	stream.indirect.gather [hbm4b:s1+s16], $0x80, s21, s16, $0xb8;
	[tilespmem:$0x1E400] =	vst v63  }
0x55: {  	_ =	swait.ge [sflag:s19], $0x4000  }
0x56: {  	[sflag:s19] =	ssyncset.done $0x0  }
0x57: {  	[sflag:s19] =	ssyncadd.s32 $0xFFFFC000  }
0x58: {  	[spmem:s2] =	stream.indirect.scatter.add.f32 [tilespmem:s17], [sflag:$0x3], $0x80, s22, s16, $0xb8;
	[tilespmem:$0x1E400] =	vst v63  }
0x59: {  	_ =	swait.ge [sflag:s14], $0x4000  }
0x5a: {  	[sflag:s14] =	ssyncset.done $0x0  }
0x5b: {  	[sflag:s14] =	ssyncadd.s32 $0xFFFFC000  }
0x5c: {  	_ =	swait.ge [sflag:s20], $0x4000  }
0x5d: {  	[sflag:s20] =	ssyncset.done $0x0  }
0x5e: {  	[sflag:s20] =	ssyncadd.s32 $0xFFFFC000  }
0x5f: {  	[spmem:s2] =	stream.indirect.scatter.add.f32 [tilespmem:s18], [sflag:$0x3], $0x80, s23, s16, $0xb8;
	[tilespmem:$0x1E400] =	vst v63  }
0x60: {  	_ =	swait.ge [sflag:s14], $0x4000  }
0x61: {  	[sflag:s14] =	ssyncset.done $0x0  }
0x62: {  	s26 =	simm.s32 $0x0;
	[sflag:s14] =	ssyncadd.s32 $0xFFFFC000  }
0x63: {  	[tilespmem:s26], [sflag:$0x3] =	stream.linear.gather [hbm4b:s9+s26], $0x1400, $0x38;
	[tilespmem:$0x1E400] =	vst v63  }
0x64: {  	_ =	swait.ge [sflag:s14], $0x1400  }
0x65: {  	[sflag:s14] =	ssyncset.done $0x0  }
0x66: {  	[sflag:s14] =	ssyncadd.s32 $0xFFFFEC00  }
0x67: {  	[tilespmem:s15], [sflag:$0x3] =	stream.linear.gather [hbm4b:s10+s26], $0x1400, $0x38;
	[tilespmem:$0x1E400] =	vst v63  }
0x68: {  	_ =	swait.ge [sflag:s14], $0x1400  }
0x69: {  	[sflag:s14] =	ssyncset.done $0x0  }
0x6a: {  	[sflag:s14] =	ssyncadd.s32 $0xFFFFEC00  }
0x6b: {  	[tilespmem:s17], [sflag:$0x1] =	stream.indirect.gather [hbm4b:s1+s16], $0x80, s26, s16, $0xb8;
	[tilespmem:$0x1E400] =	vst v63  }
0x6c: {  	s28 =	simm.s32 $0x80  }
0x6d: {  	[tilespmem:s18], [sflag:$0x2] =	stream.indirect.gather [hbm4b:s1+s16], $0x80, s28, s16, $0xb8;
	[tilespmem:$0x1E400] =	vst v63  }
0x6e: {  	_ =	swait.ge [sflag:s19], $0x4000  }
0x6f: {  	[sflag:s19] =	ssyncset.done $0x0  }
0x70: {  	s29 =	simm.s32 $0x1400;
	[sflag:s19] =	ssyncadd.s32 $0xFFFFC000  }
0x71: {  	[spmem:s2] =	stream.indirect.scatter.add.f32 [tilespmem:s17], [sflag:$0x3], $0x80, s29, s16, $0xb8;
	[tilespmem:$0x1E400] =	vst v63  }
0x72: {  	_ =	swait.ge [sflag:s14], $0x4000  }
0x73: {  	[sflag:s14] =	ssyncset.done $0x0  }
0x74: {  	s30 =	simm.s32 $0x100;
	[sflag:s14] =	ssyncadd.s32 $0xFFFFC000  }
0x75: {  	[tilespmem:s17], [sflag:$0x1] =	stream.indirect.gather [hbm4b:s1+s16], $0x80, s30, s16, $0xb8;
	[tilespmem:$0x1E400] =	vst v63  }
0x76: {  	_ =	swait.ge [sflag:s20], $0x4000  }
0x77: {  	[sflag:s20] =	ssyncset.done $0x0  }
0x78: {  	s31 =	simm.s32 $0x1480;
	[sflag:s20] =	ssyncadd.s32 $0xFFFFC000  }
0x79: {  	[spmem:s2] =	stream.indirect.scatter.add.f32 [tilespmem:s18], [sflag:$0x3], $0x80, s31, s16, $0xb8;
	[tilespmem:$0x1E400] =	vst v63  }
0x7a: {  	_ =	swait.ge [sflag:s14], $0x4000  }
0x7b: {  	s25 =	simm.s32 $0x100;
	s26 =	simm.s32 $0x800;
	[sflag:s14] =	ssyncset.done $0x0  }
.LBB2_4:
0x7c: {  	s28 =	sadd.s32 $0x80, s25  }
0x7d: {  	[sflag:s14] =	ssyncadd.s32 $0xFFFFC000;
	s29 =	smov.u32 s26;
	s30 =	sadd.s32 $0x400, s26  }
0x7e: {  	[tilespmem:s18], [sflag:$0x2] =	stream.indirect.gather [hbm4b:s1+s16], $0x80, s28, s16, $0xb8;
	[tilespmem:$0x1E400] =	vst v63  }
0x7f: {  	p0 =	sne.s32 s26, $0x4800;
	_ =	swait.ge [sflag:s19], $0x4000  }
0x80: {  	[sflag:s19] =	ssyncset.done $0x0  }
0x81: {  	s26 =	sadd.s32 $0x1400, s25;
	[sflag:s19] =	ssyncadd.s32 $0xFFFFC000  }
0x82: {  	[spmem:s2] =	stream.indirect.scatter.add.f32 [tilespmem:s17], [sflag:$0x3], $0x80, s26, s16, $0xb8;
	[tilespmem:$0x1E400] =	vst v63  }
0x83: {  	_ =	swait.ge [sflag:s14], $0x4000  }
0x84: {  	[sflag:s14] =	ssyncset.done $0x0  }
0x85: {  	s26 =	sadd.s32 $0x100, s25;
	[sflag:s14] =	ssyncadd.s32 $0xFFFFC000  }
0x86: {  	[tilespmem:s17], [sflag:$0x1] =	stream.indirect.gather [hbm4b:s1+s16], $0x80, s26, s16, $0xb8;
	[tilespmem:$0x1E400] =	vst v63  }
0x87: {  	_ =	swait.ge [sflag:s20], $0x4000  }
.Ltmp1:
0x88: {  	[sflag:s20] =	ssyncset.done $0x0;
	(pc) =	sbr.rel @p0 .LBB2_4-.Ltmp1, $4  }
0x89: {  	s25 =	sadd.s32 $0x1480, s25;
	[sflag:s20] =	ssyncadd.s32 $0xFFFFC000  }
0x8a: {  	[spmem:s2] =	stream.indirect.scatter.add.f32 [tilespmem:s18], [sflag:$0x3], $0x80, s25, s16, $0xb8;
	[tilespmem:$0x1E400] =	vst v63  }
0x8b: {  	_ =	swait.ge [sflag:s14], $0x4000  }
0x8c: {  	s26 =	smov.u32 s30;
	s25 =	sshra.s32 s29, $0x2;
	[sflag:s14] =	ssyncset.done $0x0  }
0x8d: {  	s26 =	sadd.s32 $0x80, s25;
	[sflag:s14] =	ssyncadd.s32 $0xFFFFC000  }
0x8e: {  	[tilespmem:s18], [sflag:$0x2] =	stream.indirect.gather [hbm4b:s1+s16], $0x80, s26, s16, $0xb8;
	[tilespmem:$0x1E400] =	vst v63  }
0x8f: {  	_ =	swait.ge [sflag:s19], $0x4000  }
0x90: {  	[sflag:s19] =	ssyncset.done $0x0  }
0x91: {  	s29 =	sadd.s32 $0x1400, s25;
	[sflag:s19] =	ssyncadd.s32 $0xFFFFC000  }
0x92: {  	[spmem:s2] =	stream.indirect.scatter.add.f32 [tilespmem:s17], [sflag:$0x3], $0x80, s29, s16, $0xb8;
	[tilespmem:$0x1E400] =	vst v63  }
0x93: {  	_ =	swait.ge [sflag:s14], $0x4000  }
0x94: {  	[sflag:s14] =	ssyncset.done $0x0  }
0x95: {  	s30 =	sadd.s32 $0x100, s25;
	[sflag:s14] =	ssyncadd.s32 $0xFFFFC000  }
0x96: {  	[tilespmem:s17], [sflag:$0x1] =	stream.indirect.gather [hbm4b:s1+s16], $0x80, s30, s16, $0xb8;
	[tilespmem:$0x1E400] =	vst v63  }
0x97: {  	_ =	swait.ge [sflag:s20], $0x4000  }
0x98: {  	[sflag:s20] =	ssyncset.done $0x0  }
0x99: {  	s31 =	sadd.s32 $0x1480, s25;
	[sflag:s20] =	ssyncadd.s32 $0xFFFFC000  }
0x9a: {  	[spmem:s2] =	stream.indirect.scatter.add.f32 [tilespmem:s18], [sflag:$0x3], $0x80, s31, s16, $0xb8;
	[tilespmem:$0x1E400] =	vst v63  }
0x9b: {  	_ =	swait.ge [sflag:s14], $0x4000  }
0x9c: {  	[sflag:s14] =	ssyncset.done $0x0  }
0x9d: {  	[sflag:s14] =	ssyncadd.s32 $0xFFFFC000  }
0x9e: {  	[tilespmem:s18], [sflag:$0x2] =	stream.indirect.gather [hbm4b:s1+s16], $0x80, s21, s16, $0xb8;
	[tilespmem:$0x1E400] =	vst v63  }
0x9f: {  	_ =	swait.ge [sflag:s19], $0x4000  }
0xa0: {  	[sflag:s19] =	ssyncset.done $0x0  }
0xa1: {  	[sflag:s19] =	ssyncadd.s32 $0xFFFFC000  }
0xa2: {  	[spmem:s2] =	stream.indirect.scatter.add.f32 [tilespmem:s17], [sflag:$0x3], $0x80, s22, s16, $0xb8;
	[tilespmem:$0x1E400] =	vst v63  }
0xa3: {  	_ =	swait.ge [sflag:s14], $0x4000  }
0xa4: {  	[sflag:s14] =	ssyncset.done $0x0  }
0xa5: {  	[sflag:s14] =	ssyncadd.s32 $0xFFFFC000  }
0xa6: {  	_ =	swait.ge [sflag:s20], $0x4000  }
0xa7: {  	[sflag:s20] =	ssyncset.done $0x0  }
0xa8: {  	[sflag:s20] =	ssyncadd.s32 $0xFFFFC000  }
0xa9: {  	[spmem:s2] =	stream.indirect.scatter.add.f32 [tilespmem:s18], [sflag:$0x3], $0x80, s23, s16, $0xb8;
	[tilespmem:$0x1E400] =	vst v63  }
0xaa: {  	_ =	swait.ge [sflag:s14], $0x4000  }
0xab: {  	s24 =	sadd.s32 $0x1, s24;
	[sflag:s14] =	ssyncset.done $0x0  }
0xac: {  	p0 =	sne.s32 s24, s12;
	[sflag:s14] =	ssyncadd.s32 $0xFFFFC000  }
.Ltmp2:
0xad: {  	[bflag:$0x0] =	sbarrier.arrive $0xFFFF;
	(pc) =	sbr.rel @p0 .LBB2_1-.Ltmp2, $4  }
0xae: {  	[hbm:s11], [sflag:s6] =	dma.local [spmem:s13], $0x2780  }
0xaf: {  	_ =	swait.ge [sflag:s14], $0x2780  }
0xb0: {  	[sflag:s14] =	ssyncset.done $0x0  }
0xb1: {  	[sflag:s14] =	ssyncadd.s32 $0xFFFFD880  }
0xb2: {  	_ =	sfence.sel $0x180000  }
0xb3: {  	[bflag:$0x0] =	sbarrier.arrive $0xFFFF  }
0xb4: {  	p0 =	sne.s32 s3, $0x0;
	_ =	strace $0x9000004A  }
0xb5: {  	s0 =	sadd.s32 @!p0 $0x100000, s0;
	[bflag:$0x2] =	sbarrier.arrive $0xFFFF  }
0xb6: {  	[sflag:s0] =	ssyncadd.tile.s32 @!p0 $0x1;
	_ =	shalt  }
.Lfunc_end2:
_tile_overlayer_lowered:
.L_overlay_start_2:
0xb7: {  	(tag) =	ssettag $0x2  }
0xb8: {  	s0 =	rddreg [dreg:$0x0];
	s2 =	stileid.u32  }
0xb9: {  	s1 =	rddreg [dreg:$0x1];
	p0 =	sne.s32 s2, $0x0  }
0xba: {  	s3 =	rddreg [dreg:$0x2];
	[bflag:$0x3] =	sbarrier.arrive $0xFFFF;
	s2 =	simm.s32 @!p0 $0x1C03  }
0xbb: {  	[timem:s3], [sflag:s2] =	dma.local @!p0 [hbm:s0], s1  }
0xbc: {  	s0 =	simm.s32 @!p0 $0x3  }
0xbd: {  	_ =	swait.ge @!p0 [sflag:s0], s1  }
0xbe: {  	s1 =	ssub.s32 @!p0 $0x0, s1;
	[sflag:s0] =	ssyncset.done @!p0 $0x0  }
0xbf: {  	[sflag:s0] =	ssyncadd.s32 @!p0 s1  }
0xc0: {  	[bflag:$0x3] =	sbarrier.arrive $0xFFFF  }
0xc1: {  	_ =	shalt  }

// kernel: kernel.7.cloned.1.call-start
scs
__scs_entry_jumppad:
0x0: {  	(pc) =	sbr.rel $0x88, $3  }
0x1: {  	(tag) =	ssettag $0x0;
	lr =	simm.s32 $0x1  }
0x2: {  	[smem:$0x3F9D] =	sst lr;
	_ =	strace $0xD0000000  }
0x3: {  	_ = 	snop  }
0x4: {  	_ = 	snop  }
0x5: {  	_ = 	snop  }
0x6: {  	_ = 	snop  }
0x7: {  	_ = 	snop  }
__scs_overlays_trampoline_lowered:
0x8: {  	[smem:$0x3FAC] =	sst s0  }
0x9: {  	[smem:$0x3FAD] =	sst s1  }
0xa: {  	[smem:$0x3FAE] =	sst s2  }
0xb: {  	[smem:$0x3FAF] =	sst s3  }
0xc: {  	[smem:$0x3FB0] =	sst s4  }
0xd: {  	[smem:$0x3FB1] =	sst s5  }
0xe: {  	[smem:$0x3FB2] =	sst s6  }
0xf: {  	[smem:$0x3FB3] =	sst s7  }
0x10: {  	[smem:$0x3FB4] =	sst s8  }
0x11: {  	[smem:$0x3FB5] =	sst s9;
	s0 =	simm.s32 @!p0 $0x0  }
0x12: {  	s1 =	sld [smem:$0x3F9B];
	s0 =	simm.s32 @p0 $0x1  }
0x13: {  	[smem:$0x3FB6] =	sst s0;
	s0 =	simm.s32 @!p1 $0x0  }
0x14: {  	s2 =	sld [smem:$0x3F9A];
	s0 =	simm.s32 @p1 $0x1  }
0x15: {  	[smem:$0x3FB7] =	sst s0;
	s0 =	simm.s32 @!p2 $0x0  }
0x16: {  	s3 =	sld [smem:$0x3FDB];
	s0 =	simm.s32 @p2 $0x1  }
0x17: {  	s4 =	simm.s32 $0x1BF5;
	[smem:$0x3FB9] =	sst s0  }
0x18: {  	s0 =	sld [smem:$0x3F9C];
	_ =	swait.ge [sflag:s4], $0x0  }
0x19: {  	s7 =	sld [smem:$0x3F9D]  }
0x1a: {  	s8 =	sadd.s32 $0xFFFFE003, lr  }
0x1b: {  	s9 =	sadd.s32 $0xFFFFFEF7, lr;
	s5 =	simm.s32 $0xFFFFFFFF;
	p2 =	slt.u32 s8, $0xFFFFF086  }
0x1c: {  	p1 =	slt.u32 s9, $0xF7A;
	s5 =	simm.s32 @!p2 $0x0  }
0x1d: {  	s5 =	simm.s32 @p1 $0x1;
	p0 =	seq.s32 s7, s2  }
0x1e: {  	s7 =	smul.u32 @!p0 $0xF7A, s2;
	p2 =	seq.s32 @!p0 s5, $0x0  }
0x1f: {  	s9 =	smul.u32 $0xF7A, s1;
	s8 =	simm.s32 @!p0 $0x1BF5;
	p2 =	por !p2, p0  }
0x20: {  	[sflag:s8] =	ssyncset.s32 @!p0 $0xFFFFF086;
	s6 =	sadd.s32 @!p0 s3, s7;
	s7 =	simm.s32 @!p0 $0x108  }
0x21: {  	s3 =	sadd.s32 s3, s9;
	s6 =	sadd.s32 @!p0 $0x88, s6;
	s7 =	simm.s32 @p2 $0x1082  }
0x22: {  	[simem:s7], [sflag:s8] =	dma.local @!p0 [hbm:s6], $0xF7A  }
0x23: {  	s9 =	sor.u32 $0xD0000000, s2;
	s6 =	simm.s32 $0x108;
	_ =	swait.ge @!p0 [sflag:s8], $0x0  }
0x24: {  	s3 =	sadd.s32 $0x88, s3;
	s6 =	simm.s32 @!p1 $0x1082;
	[sflag:s4] =	ssyncset.s32 $0xFFFFF086  }
0x25: {  	[simem:s6], [sflag:s4] =	dma.local [hbm:s3], $0xF7A  }
0x26: {  	[smem:$0x3F9D] =	sst s1;
	(tag) =	ssettag s2;
	_ =	strace s9  }
0x27: {  	s1 =	sld [smem:$0x3FAD]  }
0x28: {  	s2 =	sld [smem:$0x3FAE]  }
0x29: {  	s4 =	sld [smem:$0x3FB0]  }
0x2a: {  	p0 =	seq.s32 s5, $0x0;
	s5 =	sld [smem:$0x3FB1]  }
0x2b: {  	s6 =	sld [smem:$0x3FB2]  }
0x2c: {  	s7 =	sld [smem:$0x3FB3]  }
0x2d: {  	s3 =	simm.s32 $0x108;
	s8 =	sld [smem:$0x3FB4]  }
0x2e: {  	s3 =	simm.s32 @!p0 $0x1082;
	s9 =	sld [smem:$0x3FB5]  }
0x2f: {  	lr =	sadd.s32 s0, s3;
	s0 =	sld [smem:$0x3FAC]  }
0x30: {  	s3 =	sld [smem:$0x3FAF]  }
0x31: {  	[smem:$0x3FB8] =	sst s10  }
0x32: {  	s10 =	sld [smem:$0x3FB6];
	_ =	sdelay $0x3  }
0x33: {  	p0 =	seq.s32 s10, $0x1;
	s10 =	sld [smem:$0x3FB8];
	_ =	sdelay $0x3  }
0x34: {  	[smem:$0x3FB8] =	sst s10  }
0x35: {  	s10 =	sld [smem:$0x3FB7];
	_ =	sdelay $0x3  }
0x36: {  	p1 =	seq.s32 s10, $0x1;
	s10 =	sld [smem:$0x3FB8];
	_ =	sdelay $0x3  }
0x37: {  	[smem:$0x3FB8] =	sst s10  }
0x38: {  	s10 =	sld [smem:$0x3FB9]  }
0x39: {  	_ = 	snop;
	(pc) =	sbr.ind lr, $3  }
0x3a: {  	_ = 	snop  }
0x3b: {  	_ = 	snop  }
0x3c: {  	p2 =	seq.s32 s10, $0x1;
	s10 =	sld [smem:$0x3FB8]  }
0x3d: {  	_ =	shalt  }
0x3e: {  	_ =	shalt  }
0x3f: {  	_ =	shalt  }
0x40: {  	_ =	shalt  }
0x41: {  	_ =	shalt  }
0x42: {  	_ =	shalt  }
0x43: {  	_ =	shalt  }
0x44: {  	_ =	shalt  }
0x45: {  	_ =	shalt  }
0x46: {  	_ =	shalt  }
0x47: {  	_ =	shalt  }
0x48: {  	_ =	shalt  }
0x49: {  	_ =	shalt  }
0x4a: {  	_ =	shalt  }
0x4b: {  	_ =	shalt  }
0x4c: {  	_ =	shalt  }
0x4d: {  	_ =	shalt  }
0x4e: {  	_ =	shalt  }
0x4f: {  	_ =	shalt  }
0x50: {  	_ =	shalt  }
0x51: {  	_ =	shalt  }
0x52: {  	_ =	shalt  }
0x53: {  	_ =	shalt  }
0x54: {  	_ =	shalt  }
0x55: {  	_ =	shalt  }
0x56: {  	_ =	shalt  }
0x57: {  	_ =	shalt  }
0x58: {  	_ =	shalt  }
0x59: {  	_ =	shalt  }
0x5a: {  	_ =	shalt  }
0x5b: {  	_ =	shalt  }
0x5c: {  	_ =	shalt  }
0x5d: {  	_ =	shalt  }
0x5e: {  	_ =	shalt  }
0x5f: {  	_ =	shalt  }
0x60: {  	_ =	shalt  }
0x61: {  	_ =	shalt  }
0x62: {  	_ =	shalt  }
0x63: {  	_ =	shalt  }
0x64: {  	_ =	shalt  }
0x65: {  	_ =	shalt  }
0x66: {  	_ =	shalt  }
0x67: {  	_ =	shalt  }
0x68: {  	_ =	shalt  }
0x69: {  	_ =	shalt  }
0x6a: {  	_ =	shalt  }
0x6b: {  	_ =	shalt  }
0x6c: {  	_ =	shalt  }
0x6d: {  	_ =	shalt  }
0x6e: {  	_ =	shalt  }
0x6f: {  	_ =	shalt  }
0x70: {  	_ =	shalt  }
0x71: {  	_ =	shalt  }
0x72: {  	_ =	shalt  }
0x73: {  	_ =	shalt  }
0x74: {  	_ =	shalt  }
0x75: {  	_ =	shalt  }
0x76: {  	_ =	shalt  }
0x77: {  	_ =	shalt  }
0x78: {  	_ =	shalt  }
0x79: {  	_ =	shalt  }
0x7a: {  	_ =	shalt  }
0x7b: {  	_ =	shalt  }
0x7c: {  	_ =	shalt  }
0x7d: {  	_ =	shalt  }
0x7e: {  	_ =	shalt  }
0x7f: {  	_ =	shalt  }
0x80: {  	_ =	shalt  }
0x81: {  	_ =	shalt  }
0x82: {  	_ =	shalt  }
0x83: {  	_ =	shalt  }
0x84: {  	_ =	shalt  }
0x85: {  	_ =	shalt  }
0x86: {  	_ =	shalt  }
0x87: {  	_ =	shalt  }
.Lfunc_end0:
.L_simem_size_0:
called_computation_lowered:
.L_overlay_start_0:
0x88: {  	s2 =	sld [smem:$0x3FD9]  }
0x89: {  	s3 =	sld [smem:$0x3FFE];
	_ =	sdelay $0x1  }
0x8a: {  	s1 =	srdreg.scid  }
0x8b: {  	s0 =	sand.u32 $0x1, s1  }
0x8c: {  	s17 =	sshll.u32 s0, $0xA;
	s2 =	sadd.s32 s3, s2  }
0x8d: {  	s2 =	sadd.s32 s2, s17  }
0x8e: {  	[smem:$0x3FC4] =	sst s2  }
0x8f: {  	_ = 	snop  }
0x90: {  	s2 =	sld [smem:$0x3FD0];
	(tm) =	ssettm $0x1  }
0x91: {  	s18 =	sld [smem:$0x3FFB];
	_ =	sdelay $0x3  }
0x92: {  	_ =	strace s18  }
0x93: {  	s3 =	sld [smem:$0x3FFC];
	_ =	sdelay $0x3  }
0x94: {  	_ =	strace s3  }
0x95: {  	s3 =	sld [smem:$0x3FFD];
	_ =	sdelay $0x3  }
0x96: {  	_ =	strace s3  }
0x97: {  	_ =	strace $0x8FFFFFFF  }
0x98: {  	s19 =	sld [smem:$0x3FDB];
	_ =	sdelay $0x1  }
0x99: {  	s4 =	simm.s32 $_scs_section_size  }
0x9a: {  	s5 =	simm.s32 $_size__tile_overlayer_lowered;
	s6 =	simm.s32 $_tile_overlayer_lowered  }
0x9b: {  	s22 =	simm.s32 $0x1BFF;
	s21 =	sshll.u32 s6, $0x1;
	s3 =	sadd.s32 s4, s19  }
0x9c: {  	s7 =	simm.s32 $0x0;
	s20 =	sshll.u32 s5, $0x1;
	s5 =	sadd.s32 s21, s3  }
0x9d: {  	[timem:s7], [sflag:s22] =	dma.local [hbm:s5], s20  }
0x9e: {  	_ =	swait.ge [sflag:s22], s20  }
0x9f: {  	s4 =	ssub.s32 $0x0, s20;
	[sflag:s22] =	ssyncset.done $0x0  }
0xa0: {  	[sflag:s22] =	ssyncadd.s32 s4;
	_ =	sdelay $0x1  }
0xa1: {  	s23 =	simm.s32 $0x1B8B  }
0xa2: {  	_ =	swait.ge [sflag:s23], $0x1  }
0xa3: {  	[sflag:s23] =	ssyncset.done $0x0  }
0xa4: {  	s25 =	simm.s32 $0x1B8E;
	s24 =	sld [smem:$0x3FFE];
	[sflag:s23] =	ssyncadd.s32 $0xFFFFFFFF  }
0xa5: {  	s26 =	simm.s32 $execute0_lowered;
	[smem:$0x3FD2] =	sst s25  }
0xa6: {  	s5 =	sshll.u32 s26, $0x1;
	_ =	strace $0x80000046;
	[dreg:$0x1] =	wrdreg $0xFFFFFFFF  }
0xa7: {  	s28 =	simm.s32 $_size_execute0_lowered;
	s3 =	sadd.s32 s3, s5;
	[dreg:$0x0] =	wrdreg $0x0  }
0xa8: {  	s5 =	sshll.u32 s28, $0x1;
	[dreg:$0x2] =	wrdreg s3  }
0xa9: {  	[dreg:$0x3] =	wrdreg s5  }
0xaa: {  	[dreg:$0x4] =	wrdreg $0xC0  }
0xab: {  	_ =	task [dreg:s7], $0x5FFFF  }
0xac: {  	[dreg:$0x1] =	wrdreg $0xFFFFFFFF  }
0xad: {  	[dreg:$0x0] =	wrdreg $0x60  }
0xae: {  	[dreg:$0x2] =	wrdreg s2  }
0xaf: {  	[dreg:$0x3] =	wrdreg s24  }
0xb0: {  	[dreg:$0x4] =	wrdreg $0x30000  }
0xb1: {  	[dreg:$0x5] =	wrdreg $0x9  }
0xb2: {  	_ =	task.clear_ibuf [dreg:s7], $0x6FFFF;
	_ =	strace $0x90000046  }
0xb3: {  	s29 =	simm.s32 $0x9;
	_ =	strace $0x80000048  }
0xb4: {  	_ =	swait.ge [sflag:s29], $0x1  }
0xb5: {  	[sflag:s29] =	ssyncadd.s32 $0xFFFFFFFF  }
0xb6: {  	_ =	strace $0x90000048  }
0xb7: {  	_ =	sfence  }
0xb8: {  	s30 =	sld [smem:$0x0];
	_ =	sdelay $0x2  }
0xb9: {  	s31 =	sshll.u32 s1, $0xD;
	s1 =	sshrl.u32 s1, $0x2  }
0xba: {  	s3 =	sand.u32 $0x4000, s31;
	s1 =	sadd.s32 s1, s30  }
0xbb: {  	s0 =	sor.u32 s3, s0;
	s1 =	sshll.u32 s1, $0x11  }
0xbc: {  	s0 =	sor.u32 s1, s0  }
0xbd: {  	s0 =	sadd.s32 $0x8F2B, s0  }
0xbe: {  	[sflag:s0] =	ssyncadd.remote.s32 $0x1  }
0xbf: {  	_ =	sfence.sel $0xFFFF  }
0xc0: {  	[dreg:$0x0] =	wrdreg $0xFFFFFFFF;
	(pc) =	sbr.abs _section_cstart, $3  }
0xc1: {  	[dreg:$0x1] =	wrdreg $0xFFFFFFFF  }
0xc2: {  	_ =	task.clear_ibuf [dreg:s7], $0x2FFFF;
	_ =	strace $0x9FFFFFFF  }
0xc3: {  	(tm) =	ssettm $0x7FFFFFFF  }
tec
execute0_lowered:
.L_overlay_start_1:
0x0: {  	(tag) =	ssettag $0x1  }
0x1: {  	s6 =	rddreg [dreg:$0x0]  }
0x2: {  	s7 =	rddreg [dreg:$0x1]  }
0x3: {  	s2 =	rddreg [dreg:$0x2]  }
0x4: {  	s0 =	rddreg [dreg:$0x3]  }
0x5: {  	s4 =	srdreg.scid;
	s1 =	stileid.u32;
	s3 =	simm.s32 $0x0  }
0x6: {  	s13 =	simm.s32 $0x80;
	s14 =	simm.s32 $0x0;
	s5 =	sand.u32 $0x1, s4  }
0x7: {  	s8 =	smul.u32 $0x2780, s1;
	[smem:$0x7FF] =	sst s3;
	s4 =	sadd.s32 $0x1A00, s7  }
0x8: {  	s31 =	sshll.u32 s1, $0x6;
	s9 =	smul.u32 $0x27800, s5;
	_ =	strace $0x80000047  }
0x9: {  	s10 =	sshll.u32 s5, $0x4;
	s11 =	ssub.s32 $0x2, s5;
	s5 =	sadd.s32 $0x1C00, s7  }
0xa: {  	s10 =	sor.u32 s1, s10;
	s30 =	sshrl.u32 s11, $0x1;
	s9 =	sadd.s32 s8, s9  }
0xb: {  	s12 =	sadd.s32 s8, s2;
	s10 =	smul.u32 $0x500, s10;
	s9 =	sshrl.u32 s9, $0x3  }
0xc: {  	s12 =	sshrl.u32 s12, $0x3;
	s7 =	sadd.s32 s9, s7;
	s9 =	ssub.s32 s11, s30  }
0xd: {  	s6 =	sadd.s32 s6, s10;
	s10 =	simm.s32 $0x2800;
	s11 =	sor.u32 $0x1C01, s31  }
0xe: {  	s7 =	sadd.s32 $0x2200, s7;
	s8 =	smax.u32 s9, $0x1;
	s9 =	simm.s32 $0x1  }
.LBB2_1:
0xf: {  	[tilespmem:s3], [sflag:$0x1] =	stream.linear.gather [hbm4b:s6+s3], $0x2800, $0x38;
	[tilespmem:$0x5780] =	vst v63  }
0x10: {  	_ =	swait.ge [sflag:s9], $0x2800  }
0x11: {  	[sflag:s9] =	ssyncset.done $0x0  }
0x12: {  	[sflag:s9] =	ssyncadd.s32 $0xFFFFD800  }
0x13: {  	[tilespmem:s10], [sflag:$0x1] =	stream.linear.gather [hbm4b:s4+s3], $0x800, $0x38;
	[tilespmem:$0x5780] =	vst v63  }
0x14: {  	_ =	swait.ge [sflag:s9], $0x800  }
0x15: {  	[sflag:s9] =	ssyncset.done $0x0  }
0x16: {  	[sflag:s9] =	ssyncadd.s32 $0xFFFFF800  }
0x17: {  	[spmem:s12], [sflag:s11] =	dma.local [hbm:s5], $0x4F0  }
0x18: {  	_ =	swait.ge [sflag:s9], $0x4F0  }
0x19: {  	[sflag:s9] =	ssyncset.done $0x0  }
0x1a: {  	[sflag:s9] =	ssyncadd.s32 $0xFFFFFB10  }
0x1b: {  	s15 =	simm.s32 $0x0;
	[bflag:$0x0] =	sbarrier.arrive $0xFFFF  }
0x1c: {  	[spmem:s2] =	stream.indirect.scatter.add.f32 [tilespmem:s10], [sflag:$0x1], $0x10, s15, s13, $0xb8;
	[tilespmem:$0x5780] =	vst v63  }
0x1d: {  	_ =	swait.ge [sflag:s9], $0x800  }
0x1e: {  	s15 =	simm.s32 $0x200;
	[sflag:s9] =	ssyncset.done $0x0  }
.LBB2_2:
0x1f: {  	s16 =	sshra.s32 s15, $0x2;
	[sflag:s9] =	ssyncadd.s32 $0xFFFFF800;
	p0 =	sne.s32 s15, $0x9E00  }
0x20: {  	[spmem:s2] =	stream.indirect.scatter.add.f32 [tilespmem:s10], [sflag:$0x1], $0x10, s16, s13, $0xb8;
	[tilespmem:$0x5780] =	vst v63  }
.Ltmp0:
0x21: {  	_ = 	snop;
	(pc) =	sbr.rel @p0 .LBB2_2-.Ltmp0, $4  }
0x22: {  	_ = 	snop  }
0x23: {  	s15 =	sadd.s32 $0x200, s15  }
0x24: {  	_ =	swait.ge [sflag:s9], $0x800  }
0x25: {  	[sflag:s9] =	ssyncset.done $0x0  }
0x26: {  	s14 =	sadd.s32 $0x1, s14  }
0x27: {  	[sflag:s9] =	ssyncadd.s32 $0xFFFFF800;
	p0 =	sne.s32 s14, s8  }
.Ltmp1:
0x28: {  	[bflag:$0x0] =	sbarrier.arrive $0xFFFF;
	(pc) =	sbr.rel @p0 .LBB2_1-.Ltmp1, $4  }
0x29: {  	[hbm:s7], [sflag:s11] =	dma.local [spmem:s12], $0x4F0  }
0x2a: {  	_ =	swait.ge [sflag:s9], $0x4F0  }
0x2b: {  	[sflag:s9] =	ssyncset.done $0x0  }
0x2c: {  	[sflag:s9] =	ssyncadd.s32 $0xFFFFFB10  }
0x2d: {  	_ =	sfence.sel $0x180000  }
0x2e: {  	[bflag:$0x0] =	sbarrier.arrive $0xFFFF  }
0x2f: {  	p0 =	sne.s32 s1, $0x0;
	_ =	strace $0x90000047  }
0x30: {  	s0 =	sadd.s32 @!p0 $0x100000, s0;
	[bflag:$0x2] =	sbarrier.arrive $0xFFFF  }
0x31: {  	[sflag:s0] =	ssyncadd.tile.s32 @!p0 $0x1;
	_ =	shalt  }
.Lfunc_end2:
_tile_overlayer_lowered:
.L_overlay_start_2:
0x32: {  	(tag) =	ssettag $0x2  }
0x33: {  	s0 =	rddreg [dreg:$0x0];
	s2 =	stileid.u32  }
0x34: {  	s1 =	rddreg [dreg:$0x1];
	p0 =	sne.s32 s2, $0x0  }
0x35: {  	s3 =	rddreg [dreg:$0x2];
	[bflag:$0x3] =	sbarrier.arrive $0xFFFF;
	s2 =	simm.s32 @!p0 $0x1C01  }
0x36: {  	[timem:s3], [sflag:s2] =	dma.local @!p0 [hbm:s0], s1  }
0x37: {  	s0 =	simm.s32 @!p0 $0x1  }
0x38: {  	_ =	swait.ge @!p0 [sflag:s0], s1  }
0x39: {  	s1 =	ssub.s32 @!p0 $0x0, s1;
	[sflag:s0] =	ssyncset.done @!p0 $0x0  }
0x3a: {  	[sflag:s0] =	ssyncadd.s32 @!p0 s1  }
0x3b: {  	[bflag:$0x3] =	sbarrier.arrive $0xFFFF  }
0x3c: {  	_ =	shalt  }

</sc_bundles>
